<compile_context>
chip_gen: v7x
topology: tpu7x:2x2x1
jax: 0.10.2.dev20260603
libtpu: 0.0.44.dev20260713+nightly
codegen_flags: <defaults>
</compile_context>

<pallas_src>
import functools

import jax
import jax.numpy as jnp
from jax import lax
from jax.experimental import pallas as pl
from jax.experimental.pallas import tpu as pltpu
from jax.experimental.pallas import tpu_sc as plsc

D = 1024
LANES = 16
NC = 2
NS = 16
NW = NC * NS
CS = 8
S_SC = 256
BS = 768


@functools.lru_cache(maxsize=None)
def _build_sc_part(B, S):
    S_TC = S - S_SC
    SW = S_SC // NW
    NCH = SW // CS
    T = NCH * B
    VPC = CS * D // LANES
    JPR = D // LANES
    mesh = plsc.VectorSubcoreMesh(core_axis_name="c", subcore_axis_name="s")

    @functools.partial(
        pl.kernel,
        mesh=mesh,
        out_type=jax.ShapeDtypeStruct((B * S_SC, D), jnp.float32),
        scratch_types=[
            pltpu.VMEM((SW,), jnp.int32),
            pltpu.VMEM((CS, D), jnp.float32),
            pltpu.VMEM((CS, D), jnp.float32),
            pltpu.VMEM((CS, D), jnp.float32),
            pltpu.VMEM((CS, D), jnp.float32),
            pltpu.VMEM((CS, D), jnp.float32),
            pltpu.VMEM((CS, D), jnp.float32),
            pltpu.SemaphoreType.DMA,
            pltpu.SemaphoreType.DMA,
            pltpu.SemaphoreType.DMA,
            pltpu.SemaphoreType.DMA,
            pltpu.SemaphoreType.DMA,
            pltpu.SemaphoreType.DMA,
        ],
    )
    def sc_kernel(x_hbm, ids_hbm, w_hbm, out_hbm,
                  ids_v, emb0, emb1, in0, in1, ob0, ob1,
                  sem_e0, sem_e1, sem_i0, sem_i1, sem_o0, sem_o1):
        emb = (emb0, emb1)
        inb = (in0, in1)
        outb = (ob0, ob1)
        sem_e = (sem_e0, sem_e1)
        sem_i = (sem_i0, sem_i1)
        sem_o = (sem_o0, sem_o1)

        wid = lax.axis_index("s") * NC + lax.axis_index("c")
        w_base = wid * SW
        pltpu.sync_copy(ids_hbm.at[pl.ds(S_TC + w_base, SW)], ids_v)

        def emb_gather(c, start):
            e = c % 2
            desc = pltpu.make_async_copy(
                w_hbm.at[ids_v.at[pl.ds(c * CS, CS)]], emb[e], sem_e[e])
            if start:
                desc.start()
            return desc

        def rows(tt):
            c = tt // B
            b = tt % B
            return (b * S + S_TC + w_base + c * CS,
                    b * S_SC + w_base + c * CS)

        def in_copy(tt, k, start):
            desc = pltpu.make_async_copy(
                x_hbm.at[pl.ds(rows(tt)[0], CS)], inb[k], sem_i[k])
            if start:
                desc.start()
            return desc

        def out_copy(tt, k, start):
            desc = pltpu.make_async_copy(
                outb[k], out_hbm.at[pl.ds(rows(tt)[1], CS)], sem_o[k])
            if start:
                desc.start()
            return desc

        emb_gather(0, start=True)
        in_copy(0, 0, start=True)
        in_copy(1, 1, start=True)

        for tt in range(T):
            c = tt // B
            b = tt % B
            k = tt % 2
            e = c % 2
            if b == 0:
                emb_gather(c, start=False).wait()
                if c + 1 < NCH:
                    emb_gather(c + 1, start=True)
            in_copy(tt, k, start=False).wait()
            if tt >= 2:
                out_copy(tt - 2, k, start=False).wait()

            def add_block(i, _):
                r = i >> 6
                col = (i & (JPR - 1)) * LANES
                sl = pl.ds(col, LANES)
                outb[k][r, sl] = inb[k][r, sl] + emb[e][r, sl]
                return 0

            lax.fori_loop(0, VPC, add_block, 0, unroll=8)

            if tt + 2 < T:
                in_copy(tt + 2, k, start=True)
            out_copy(tt, k, start=True)

        out_copy(T - 2, 0, start=False).wait()
        out_copy(T - 1, 1, start=False).wait()

    return sc_kernel


def _tc_body(ids_ref, w_ref, x_ref, o_ref):
    nm = w_ref.shape[0]
    onehot = (lax.broadcasted_iota(jnp.int32, (BS, nm), 1)
              == ids_ref[...]).astype(jnp.float32)
    emb = lax.dot_general(onehot, w_ref[...], (((1,), (0,)), ((), ())),
                          preferred_element_type=jnp.float32)
    o_ref[0] = x_ref[0] + emb


@functools.lru_cache(maxsize=None)
def _build_tc_part(B, S):
    S_TC = S - S_SC
    return pl.pallas_call(
        _tc_body,
        grid=(S_TC // BS, B),
        in_specs=[
            pl.BlockSpec((BS, 1), lambda s, b: (s, 0)),
            pl.BlockSpec((5, D), lambda s, b: (0, 0)),
            pl.BlockSpec((1, BS, D), lambda s, b: (b, s, 0)),
        ],
        out_specs=pl.BlockSpec((1, BS, D), lambda s, b: (b, s, 0)),
        out_shape=jax.ShapeDtypeStruct((B, S, D), jnp.float32),
    )


@jax.jit
def kernel(x, modality_ids, embed_weight):
    B, S, d = x.shape
    S_TC = S - S_SC
    ids = modality_ids.astype(jnp.int32)
    x2 = x.reshape(B * S, d)
    sc_part = _build_sc_part(B, S)(x2, ids, embed_weight)
    tc_out = _build_tc_part(B, S)(ids.reshape(S, 1), embed_weight, x)
    return lax.dynamic_update_slice(
        tc_out, sc_part.reshape(B, S_SC, d), (0, S_TC, 0))

# --- scband reference (transcript-rebuilt; emitter-appended) ---
"""Pipeline reference for scband-vi-ltmodality-embedding-40982577938558 (READ-ONLY COPY).

The authoritative reference and input builder live on the scoring server;
editing this copy changes nothing except your own understanding.
"""

import jax, jax.numpy as jnp
import numpy as np

D_MODEL = 1024
NUM_MODALITIES = 5
B, S = 4, 4096

def setup_inputs(seed: int = 0) -> dict:
    key = jax.random.key(seed)
    k1, k2, k3 = jax.random.split(key, 3)
    x = jax.random.normal(k1, (B, S, D_MODEL), dtype=jnp.float32)
    modality_ids = jax.random.randint(k2, (S,), 0, NUM_MODALITIES, dtype=jnp.int64 if jax.config.jax_enable_x64 else jnp.int32)
    # learned embedding table, trunc_normal std=0.02 approximated by clipped normal
    w = jax.random.normal(k3, (NUM_MODALITIES, D_MODEL), dtype=jnp.float32) * 0.02
    embed_weight = jnp.clip(w, -0.04, 0.04)
    return {"x": x, "modality_ids": modality_ids, "embed_weight": embed_weight}

def reference(x, modality_ids, embed_weight):
    # embedding lookup: (S,) -> (S, d_model)
    type_emb = jnp.take(embed_weight, modality_ids, axis=0)
    # broadcast-add over batch: (B, S, d_model) + (1, S, d_model)
    return x + type_emb[None, :, :]

if __name__ == "__main__":
    import jax
    _d = setup_inputs()
    print(jax.jit(kernel)(*tuple(_d.values())))

</pallas_src>

<mosaic_0001>
#map = affine_map<(d0, d1) -> (0, 0)>
#map1 = affine_map<(d0, d1) -> (0)>
module attributes {stable_mosaic.version = 14 : i64} {
  func.func @sc_kernel(%arg0: i32, %arg1: i32, %arg2: memref<16384x1024xf32, #tpu.memory_space<hbm>>, %arg3: memref<4096xi32, #tpu.memory_space<hbm>>, %arg4: memref<5x1024xf32, #tpu.memory_space<hbm>>, %arg5: memref<1024x1024xf32, #tpu.memory_space<hbm>>, %arg6: memref<8xi32, #tpu.memory_space<vmem>>, %arg7: memref<8x1024xf32, #tpu.memory_space<vmem>>, %arg8: memref<8x1024xf32, #tpu.memory_space<vmem>>, %arg9: memref<8x1024xf32, #tpu.memory_space<vmem>>, %arg10: memref<8x1024xf32, #tpu.memory_space<vmem>>, %arg11: memref<8x1024xf32, #tpu.memory_space<vmem>>, %arg12: memref<8x1024xf32, #tpu.memory_space<vmem>>, %arg13: memref<!tpu.dma_semaphore, #tpu.memory_space<semaphore_mem>>, %arg14: memref<!tpu.dma_semaphore, #tpu.memory_space<semaphore_mem>>, %arg15: memref<!tpu.dma_semaphore, #tpu.memory_space<semaphore_mem>>, %arg16: memref<!tpu.dma_semaphore, #tpu.memory_space<semaphore_mem>>, %arg17: memref<!tpu.dma_semaphore, #tpu.memory_space<semaphore_mem>>, %arg18: memref<!tpu.dma_semaphore, #tpu.memory_space<semaphore_mem>>) attributes {dimension_semantics = [#tpu.dimension_semantics<core_parallel>, #tpu.dimension_semantics<subcore_parallel>], iteration_bounds = array<i64: 2, 16>, scalar_prefetch = 0 : i64, scratch_operands = 13 : i64, tpu.core_type = #tpu.core_type<sc_vector_subcore>, window_params = [{transform_indices = #map}, {transform_indices = #map1}, {transform_indices = #map}, {transform_indices = #map}]} {
    %mul3A = arith.constant 2 : i32
    %mul3A_0 = arith.muli %arg1, %mul3A : i32
    %add3A = arith.addi %mul3A_0, %arg0 : i32
    %mul3A_1 = arith.constant 8 : i32
    %mul3A_2 = arith.muli %add3A, %mul3A_1 : i32
    %add3A_3 = arith.constant 3840 : i32
    %add3A_4 = arith.addi %add3A_3, %mul3A_2 : i32
    "tpu.region"() ({
      %run_scoped3A = tpu.sem_alloc : memref<!tpu.dma_semaphore, #tpu.memory_space<semaphore_mem>>
      %dma_start3A_232 = tpu.memref_slice %arg3[%add3A_4] : memref<4096xi32, #tpu.memory_space<hbm>> -> memref<8xi32, #tpu.memory_space<hbm>>
      %dma_start3A_233 = tpu.memref_slice %arg3[%add3A_4] : memref<4096xi32, #tpu.memory_space<hbm>> -> memref<8xi32, #tpu.memory_space<hbm>>
      tpu.enqueue_dma source(%dma_start3A_233 : memref<8xi32, #tpu.memory_space<hbm>>) target(%arg6 : memref<8xi32, #tpu.memory_space<vmem>>) target_semaphore(%run_scoped3A : memref<!tpu.dma_semaphore, #tpu.memory_space<semaphore_mem>>)
      %dma_wait3A_234 = tpu.memref_slice %arg3[%add3A_4] : memref<4096xi32, #tpu.memory_space<hbm>> -> memref<8xi32, #tpu.memory_space<hbm>>
      %dma_wait3A_235 = tpu.memref_slice %arg3[%add3A_4] : memref<4096xi32, #tpu.memory_space<hbm>> -> memref<8xi32, #tpu.memory_space<hbm>>
      tpu.wait_dma2 semaphore(%run_scoped3A : memref<!tpu.dma_semaphore, #tpu.memory_space<semaphore_mem>>) src(%dma_wait3A_235 : memref<8xi32, #tpu.memory_space<hbm>>) dst(%arg6 : memref<8xi32, #tpu.memory_space<vmem>>)
      tpu.yield
    }) : () -> ()
    %dma_start3A = arith.constant 0 : i32
    %dma_start3A_5 = tpu.memref_slice %arg6[%dma_start3A] : memref<8xi32, #tpu.memory_space<vmem>> -> memref<8xi32, #tpu.memory_space<vmem>>
    %dma_start3A_6 = arith.constant 0 : i32
    %dma_start3A_7 = arith.constant 0 : i32
    %dma_start3A_8 = tpu.memref_slice %arg4[%dma_start3A_6, %dma_start3A_7] : memref<5x1024xf32, #tpu.memory_space<hbm>> -> memref<5x1024xf32, #tpu.memory_space<hbm>>
    tpu.enqueue_indirect_dma source(%dma_start3A_8 : memref<5x1024xf32, #tpu.memory_space<hbm>>) target(%arg7 : memref<8x1024xf32, #tpu.memory_space<vmem>>) offsets(%dma_start3A_5 : memref<8xi32, #tpu.memory_space<vmem>>) semaphore(%arg13 : memref<!tpu.dma_semaphore, #tpu.memory_space<semaphore_mem>>)
    %add3A_9 = arith.constant 3840 : i32
    %add3A_10 = arith.addi %add3A_9, %mul3A_2 : i32
    %add3A_11 = arith.constant 0 : i32
    %add3A_12 = arith.addi %add3A_10, %add3A_11 : i32
    %add3A_13 = arith.constant 0 : i32
    %add3A_14 = arith.addi %add3A_13, %mul3A_2 : i32
    %add3A_15 = arith.constant 0 : i32
    %add3A_16 = arith.addi %add3A_14, %add3A_15 : i32
    %dma_start3A_17 = arith.constant 0 : i32
    %dma_start3A_18 = tpu.memref_slice %arg2[%add3A_12, %dma_start3A_17] : memref<16384x1024xf32, #tpu.memory_space<hbm>> -> memref<8x1024xf32, #tpu.memory_space<hbm>>
    %dma_start3A_19 = arith.constant 0 : i32
    %dma_start3A_20 = tpu.memref_slice %arg2[%add3A_12, %dma_start3A_19] : memref<16384x1024xf32, #tpu.memory_space<hbm>> -> memref<8x1024xf32, #tpu.memory_space<hbm>>
    tpu.enqueue_dma source(%dma_start3A_20 : memref<8x1024xf32, #tpu.memory_space<hbm>>) target(%arg9 : memref<8x1024xf32, #tpu.memory_space<vmem>>) target_semaphore(%arg15 : memref<!tpu.dma_semaphore, #tpu.memory_space<semaphore_mem>>)
    %add3A_21 = arith.constant 7936 : i32
    %add3A_22 = arith.addi %add3A_21, %mul3A_2 : i32
    %add3A_23 = arith.constant 0 : i32
    %add3A_24 = arith.addi %add3A_22, %add3A_23 : i32
    %add3A_25 = arith.constant 256 : i32
    %add3A_26 = arith.addi %add3A_25, %mul3A_2 : i32
    %add3A_27 = arith.constant 0 : i32
    %add3A_28 = arith.addi %add3A_26, %add3A_27 : i32
    %dma_start3A_29 = arith.constant 0 : i32
    %dma_start3A_30 = tpu.memref_slice %arg2[%add3A_24, %dma_start3A_29] : memref<16384x1024xf32, #tpu.memory_space<hbm>> -> memref<8x1024xf32, #tpu.memory_space<hbm>>
    %dma_start3A_31 = arith.constant 0 : i32
    %dma_start3A_32 = tpu.memref_slice %arg2[%add3A_24, %dma_start3A_31] : memref<16384x1024xf32, #tpu.memory_space<hbm>> -> memref<8x1024xf32, #tpu.memory_space<hbm>>
    tpu.enqueue_dma source(%dma_start3A_32 : memref<8x1024xf32, #tpu.memory_space<hbm>>) target(%arg10 : memref<8x1024xf32, #tpu.memory_space<vmem>>) target_semaphore(%arg16 : memref<!tpu.dma_semaphore, #tpu.memory_space<semaphore_mem>>)
    %dma_wait3A = arith.constant 0 : i32
    %dma_wait3A_33 = tpu.memref_slice %arg6[%dma_wait3A] : memref<8xi32, #tpu.memory_space<vmem>> -> memref<8xi32, #tpu.memory_space<vmem>>
    %dma_wait3A_34 = arith.constant 0 : i32
    %dma_wait3A_35 = arith.constant 0 : i32
    %dma_wait3A_36 = tpu.memref_slice %arg4[%dma_wait3A_34, %dma_wait3A_35] : memref<5x1024xf32, #tpu.memory_space<hbm>> -> memref<5x1024xf32, #tpu.memory_space<hbm>>
    tpu.wait_indirect_dma semaphore(%arg13 : memref<!tpu.dma_semaphore, #tpu.memory_space<semaphore_mem>>) src(%dma_wait3A_36 : memref<5x1024xf32, #tpu.memory_space<hbm>>) dst(%arg7 : memref<8x1024xf32, #tpu.memory_space<vmem>>)
    %add3A_37 = arith.constant 3840 : i32
    %add3A_38 = arith.addi %add3A_37, %mul3A_2 : i32
    %add3A_39 = arith.constant 0 : i32
    %add3A_40 = arith.addi %add3A_38, %add3A_39 : i32
    %add3A_41 = arith.constant 0 : i32
    %add3A_42 = arith.addi %add3A_41, %mul3A_2 : i32
    %add3A_43 = arith.constant 0 : i32
    %add3A_44 = arith.addi %add3A_42, %add3A_43 : i32
    %dma_wait3A_45 = arith.constant 0 : i32
    %dma_wait3A_46 = tpu.memref_slice %arg2[%add3A_40, %dma_wait3A_45] : memref<16384x1024xf32, #tpu.memory_space<hbm>> -> memref<8x1024xf32, #tpu.memory_space<hbm>>
    %dma_wait3A_47 = arith.constant 0 : i32
    %dma_wait3A_48 = tpu.memref_slice %arg2[%add3A_40, %dma_wait3A_47] : memref<16384x1024xf32, #tpu.memory_space<hbm>> -> memref<8x1024xf32, #tpu.memory_space<hbm>>
    tpu.wait_dma2 semaphore(%arg15 : memref<!tpu.dma_semaphore, #tpu.memory_space<semaphore_mem>>) src(%dma_wait3A_48 : memref<8x1024xf32, #tpu.memory_space<hbm>>) dst(%arg9 : memref<8x1024xf32, #tpu.memory_space<vmem>>)
    %scan3A = arith.constant 0 : i32
    %scan3A_49 = arith.constant 0 : i32
    %scan3A_50 = arith.constant 512 : i32
    %scan3A_51 = arith.addi %scan3A_49, %scan3A_50 : i32
    %scan3A_52 = arith.constant 8 : i32
    %scan3A_53 = scf.for %scan3A_232 = %scan3A_49 to %scan3A_51 step %scan3A_52 iter_args(%scan3A_233 = %scan3A) -> (i32)  : i32 {
      %shift_right_arithmetic3A = arith.constant 6 : i32
      %shift_right_arithmetic3A_234 = arith.shrsi %scan3A_232, %shift_right_arithmetic3A : i32
      %and3A = arith.constant 63 : i32
      %and3A_235 = arith.andi %scan3A_232, %and3A : i32
      %mul3A_236 = arith.constant 16 : i32
      %mul3A_237 = arith.muli %and3A_235, %mul3A_236 : i32
      %get3A = arith.index_cast %shift_right_arithmetic3A_234 : i32 to index
      %get3A_238 = arith.index_cast %mul3A_237 : i32 to index
      %get3A_239 = tpu.vector_load %arg9[%get3A, %get3A_238] {strides = array<i32>} : memref<8x1024xf32, #tpu.memory_space<vmem>>, vector<1x16xf32>,
      %get3A_240 = vector.shape_cast %get3A_239 : vector<1x16xf32> to vector<16xf32>
      %get3A_241 = arith.index_cast %shift_right_arithmetic3A_234 : i32 to index
      %get3A_242 = arith.index_cast %mul3A_237 : i32 to index
      %get3A_243 = tpu.vector_load %arg7[%get3A_241, %get3A_242] {strides = array<i32>} : memref<8x1024xf32, #tpu.memory_space<vmem>>, vector<1x16xf32>,
      %get3A_244 = vector.shape_cast %get3A_243 : vector<1x16xf32> to vector<16xf32>
      %add3A_245 = arith.addf %get3A_240, %get3A_244 : vector<16xf32>
      %swap3A = arith.index_cast %shift_right_arithmetic3A_234 : i32 to index
      %swap3A_246 = arith.index_cast %mul3A_237 : i32 to index
      %swap3A_247 = tpu.vector_load %arg11[%swap3A, %swap3A_246] {strides = array<i32>} : memref<8x1024xf32, #tpu.memory_space<vmem>>, vector<1x16xf32>,
      %swap3A_248 = vector.shape_cast %swap3A_247 : vector<1x16xf32> to vector<16xf32>
      %swap3A_249 = vector.shape_cast %add3A_245 : vector<16xf32> to vector<1x16xf32>
      tpu.vector_store %arg11[%swap3A, %swap3A_246], %swap3A_249 {strides = array<i32>} : memref<8x1024xf32, #tpu.memory_space<vmem>>, vector<1x16xf32>,
      %scan3A_250 = arith.constant 0 : i32
      %scan3A_251 = arith.constant 1 : i32
      %scan3A_252 = arith.addi %scan3A_232, %scan3A_251 : i32
      %shift_right_arithmetic3A_253 = arith.constant 6 : i32
      %shift_right_arithmetic3A_254 = arith.shrsi %scan3A_252, %shift_right_arithmetic3A_253 : i32
      %and3A_255 = arith.constant 63 : i32
      %and3A_256 = arith.andi %scan3A_252, %and3A_255 : i32
      %mul3A_257 = arith.constant 16 : i32
      %mul3A_258 = arith.muli %and3A_256, %mul3A_257 : i32
      %get3A_259 = arith.index_cast %shift_right_arithmetic3A_254 : i32 to index
      %get3A_260 = arith.index_cast %mul3A_258 : i32 to index
      %get3A_261 = tpu.vector_load %arg9[%get3A_259, %get3A_260] {strides = array<i32>} : memref<8x1024xf32, #tpu.memory_space<vmem>>, vector<1x16xf32>,
      %get3A_262 = vector.shape_cast %get3A_261 : vector<1x16xf32> to vector<16xf32>
      %get3A_263 = arith.index_cast %shift_right_arithmetic3A_254 : i32 to index
      %get3A_264 = arith.index_cast %mul3A_258 : i32 to index
      %get3A_265 = tpu.vector_load %arg7[%get3A_263, %get3A_264] {strides = array<i32>} : memref<8x1024xf32, #tpu.memory_space<vmem>>, vector<1x16xf32>,
      %get3A_266 = vector.shape_cast %get3A_265 : vector<1x16xf32> to vector<16xf32>
      %add3A_267 = arith.addf %get3A_262, %get3A_266 : vector<16xf32>
      %swap3A_268 = arith.index_cast %shift_right_arithmetic3A_254 : i32 to index
      %swap3A_269 = arith.index_cast %mul3A_258 : i32 to index
      %swap3A_270 = tpu.vector_load %arg11[%swap3A_268, %swap3A_269] {strides = array<i32>} : memref<8x1024xf32, #tpu.memory_space<vmem>>, vector<1x16xf32>,
      %swap3A_271 = vector.shape_cast %swap3A_270 : vector<1x16xf32> to vector<16xf32>
      %swap3A_272 = vector.shape_cast %add3A_267 : vector<16xf32> to vector<1x16xf32>
      tpu.vector_store %arg11[%swap3A_268, %swap3A_269], %swap3A_272 {strides = array<i32>} : memref<8x1024xf32, #tpu.memory_space<vmem>>, vector<1x16xf32>,
      %scan3A_273 = arith.constant 0 : i32
      %scan3A_274 = arith.constant 2 : i32
      %scan3A_275 = arith.addi %scan3A_232, %scan3A_274 : i32
      %shift_right_arithmetic3A_276 = arith.constant 6 : i32
      %shift_right_arithmetic3A_277 = arith.shrsi %scan3A_275, %shift_right_arithmetic3A_276 : i32
      %and3A_278 = arith.constant 63 : i32
      %and3A_279 = arith.andi %scan3A_275, %and3A_278 : i32
      %mul3A_280 = arith.constant 16 : i32
      %mul3A_281 = arith.muli %and3A_279, %mul3A_280 : i32
      %get3A_282 = arith.index_cast %shift_right_arithmetic3A_277 : i32 to index
      %get3A_283 = arith.index_cast %mul3A_281 : i32 to index
      %get3A_284 = tpu.vector_load %arg9[%get3A_282, %get3A_283] {strides = array<i32>} : memref<8x1024xf32, #tpu.memory_space<vmem>>, vector<1x16xf32>,
      %get3A_285 = vector.shape_cast %get3A_284 : vector<1x16xf32> to vector<16xf32>
      %get3A_286 = arith.index_cast %shift_right_arithmetic3A_277 : i32 to index
      %get3A_287 = arith.index_cast %mul3A_281 : i32 to index
      %get3A_288 = tpu.vector_load %arg7[%get3A_286, %get3A_287] {strides = array<i32>} : memref<8x1024xf32, #tpu.memory_space<vmem>>, vector<1x16xf32>,
      %get3A_289 = vector.shape_cast %get3A_288 : vector<1x16xf32> to vector<16xf32>
      %add3A_290 = arith.addf %get3A_285, %get3A_289 : vector<16xf32>
      %swap3A_291 = arith.index_cast %shift_right_arithmetic3A_277 : i32 to index
      %swap3A_292 = arith.index_cast %mul3A_281 : i32 to index
      %swap3A_293 = tpu.vector_load %arg11[%swap3A_291, %swap3A_292] {strides = array<i32>} : memref<8x1024xf32, #tpu.memory_space<vmem>>, vector<1x16xf32>,
      %swap3A_294 = vector.shape_cast %swap3A_293 : vector<1x16xf32> to vector<16xf32>
      %swap3A_295 = vector.shape_cast %add3A_290 : vector<16xf32> to vector<1x16xf32>
      tpu.vector_store %arg11[%swap3A_291, %swap3A_292], %swap3A_295 {strides = array<i32>} : memref<8x1024xf32, #tpu.memory_space<vmem>>, vector<1x16xf32>,
      %scan3A_296 = arith.constant 0 : i32
      %scan3A_297 = arith.constant 3 : i32
      %scan3A_298 = arith.addi %scan3A_232, %scan3A_297 : i32
      %shift_right_arithmetic3A_299 = arith.constant 6 : i32
      %shift_right_arithmetic3A_300 = arith.shrsi %scan3A_298, %shift_right_arithmetic3A_299 : i32
      %and3A_301 = arith.constant 63 : i32
      %and3A_302 = arith.andi %scan3A_298, %and3A_301 : i32
      %mul3A_303 = arith.constant 16 : i32
      %mul3A_304 = arith.muli %and3A_302, %mul3A_303 : i32
      %get3A_305 = arith.index_cast %shift_right_arithmetic3A_300 : i32 to index
      %get3A_306 = arith.index_cast %mul3A_304 : i32 to index
      %get3A_307 = tpu.vector_load %arg9[%get3A_305, %get3A_306] {strides = array<i32>} : memref<8x1024xf32, #tpu.memory_space<vmem>>, vector<1x16xf32>,
      %get3A_308 = vector.shape_cast %get3A_307 : vector<1x16xf32> to vector<16xf32>
      %get3A_309 = arith.index_cast %shift_right_arithmetic3A_300 : i32 to index
      %get3A_310 = arith.index_cast %mul3A_304 : i32 to index
      %get3A_311 = tpu.vector_load %arg7[%get3A_309, %get3A_310] {strides = array<i32>} : memref<8x1024xf32, #tpu.memory_space<vmem>>, vector<1x16xf32>,
      %get3A_312 = vector.shape_cast %get3A_311 : vector<1x16xf32> to vector<16xf32>
      %add3A_313 = arith.addf %get3A_308, %get3A_312 : vector<16xf32>
      %swap3A_314 = arith.index_cast %shift_right_arithmetic3A_300 : i32 to index
      %swap3A_315 = arith.index_cast %mul3A_304 : i32 to index
      %swap3A_316 = tpu.vector_load %arg11[%swap3A_314, %swap3A_315] {strides = array<i32>} : memref<8x1024xf32, #tpu.memory_space<vmem>>, vector<1x16xf32>,
      %swap3A_317 = vector.shape_cast %swap3A_316 : vector<1x16xf32> to vector<16xf32>
      %swap3A_318 = vector.shape_cast %add3A_313 : vector<16xf32> to vector<1x16xf32>
      tpu.vector_store %arg11[%swap3A_314, %swap3A_315], %swap3A_318 {strides = array<i32>} : memref<8x1024xf32, #tpu.memory_space<vmem>>, vector<1x16xf32>,
      %scan3A_319 = arith.constant 0 : i32
      %scan3A_320 = arith.constant 4 : i32
      %scan3A_321 = arith.addi %scan3A_232, %scan3A_320 : i32
      %shift_right_arithmetic3A_322 = arith.constant 6 : i32
      %shift_right_arithmetic3A_323 = arith.shrsi %scan3A_321, %shift_right_arithmetic3A_322 : i32
      %and3A_324 = arith.constant 63 : i32
      %and3A_325 = arith.andi %scan3A_321, %and3A_324 : i32
      %mul3A_326 = arith.constant 16 : i32
      %mul3A_327 = arith.muli %and3A_325, %mul3A_326 : i32
      %get3A_328 = arith.index_cast %shift_right_arithmetic3A_323 : i32 to index
      %get3A_329 = arith.index_cast %mul3A_327 : i32 to index
      %get3A_330 = tpu.vector_load %arg9[%get3A_328, %get3A_329] {strides = array<i32>} : memref<8x1024xf32, #tpu.memory_space<vmem>>, vector<1x16xf32>,
      %get3A_331 = vector.shape_cast %get3A_330 : vector<1x16xf32> to vector<16xf32>
      %get3A_332 = arith.index_cast %shift_right_arithmetic3A_323 : i32 to index
      %get3A_333 = arith.index_cast %mul3A_327 : i32 to index
      %get3A_334 = tpu.vector_load %arg7[%get3A_332, %get3A_333] {strides = array<i32>} : memref<8x1024xf32, #tpu.memory_space<vmem>>, vector<1x16xf32>,
      %get3A_335 = vector.shape_cast %get3A_334 : vector<1x16xf32> to vector<16xf32>
      %add3A_336 = arith.addf %get3A_331, %get3A_335 : vector<16xf32>
      %swap3A_337 = arith.index_cast %shift_right_arithmetic3A_323 : i32 to index
      %swap3A_338 = arith.index_cast %mul3A_327 : i32 to index
      %swap3A_339 = tpu.vector_load %arg11[%swap3A_337, %swap3A_338] {strides = array<i32>} : memref<8x1024xf32, #tpu.memory_space<vmem>>, vector<1x16xf32>,
      %swap3A_340 = vector.shape_cast %swap3A_339 : vector<1x16xf32> to vector<16xf32>
      %swap3A_341 = vector.shape_cast %add3A_336 : vector<16xf32> to vector<1x16xf32>
      tpu.vector_store %arg11[%swap3A_337, %swap3A_338], %swap3A_341 {strides = array<i32>} : memref<8x1024xf32, #tpu.memory_space<vmem>>, vector<1x16xf32>,
      %scan3A_342 = arith.constant 0 : i32
      %scan3A_343 = arith.constant 5 : i32
      %scan3A_344 = arith.addi %scan3A_232, %scan3A_343 : i32
      %shift_right_arithmetic3A_345 = arith.constant 6 : i32
      %shift_right_arithmetic3A_346 = arith.shrsi %scan3A_344, %shift_right_arithmetic3A_345 : i32
      %and3A_347 = arith.constant 63 : i32
      %and3A_348 = arith.andi %scan3A_344, %and3A_347 : i32
      %mul3A_349 = arith.constant 16 : i32
      %mul3A_350 = arith.muli %and3A_348, %mul3A_349 : i32
      %get3A_351 = arith.index_cast %shift_right_arithmetic3A_346 : i32 to index
      %get3A_352 = arith.index_cast %mul3A_350 : i32 to index
      %get3A_353 = tpu.vector_load %arg9[%get3A_351, %get3A_352] {strides = array<i32>} : memref<8x1024xf32, #tpu.memory_space<vmem>>, vector<1x16xf32>,
      %get3A_354 = vector.shape_cast %get3A_353 : vector<1x16xf32> to vector<16xf32>
      %get3A_355 = arith.index_cast %shift_right_arithmetic3A_346 : i32 to index
      %get3A_356 = arith.index_cast %mul3A_350 : i32 to index
      %get3A_357 = tpu.vector_load %arg7[%get3A_355, %get3A_356] {strides = array<i32>} : memref<8x1024xf32, #tpu.memory_space<vmem>>, vector<1x16xf32>,
      %get3A_358 = vector.shape_cast %get3A_357 : vector<1x16xf32> to vector<16xf32>
      %add3A_359 = arith.addf %get3A_354, %get3A_358 : vector<16xf32>
      %swap3A_360 = arith.index_cast %shift_right_arithmetic3A_346 : i32 to index
      %swap3A_361 = arith.index_cast %mul3A_350 : i32 to index
      %swap3A_362 = tpu.vector_load %arg11[%swap3A_360, %swap3A_361] {strides = array<i32>} : memref<8x1024xf32, #tpu.memory_space<vmem>>, vector<1x16xf32>,
      %swap3A_363 = vector.shape_cast %swap3A_362 : vector<1x16xf32> to vector<16xf32>
      %swap3A_364 = vector.shape_cast %add3A_359 : vector<16xf32> to vector<1x16xf32>
      tpu.vector_store %arg11[%swap3A_360, %swap3A_361], %swap3A_364 {strides = array<i32>} : memref<8x1024xf32, #tpu.memory_space<vmem>>, vector<1x16xf32>,
      %scan3A_365 = arith.constant 0 : i32
      %scan3A_366 = arith.constant 6 : i32
      %scan3A_367 = arith.addi %scan3A_232, %scan3A_366 : i32
      %shift_right_arithmetic3A_368 = arith.constant 6 : i32
      %shift_right_arithmetic3A_369 = arith.shrsi %scan3A_367, %shift_right_arithmetic3A_368 : i32
      %and3A_370 = arith.constant 63 : i32
      %and3A_371 = arith.andi %scan3A_367, %and3A_370 : i32
      %mul3A_372 = arith.constant 16 : i32
      %mul3A_373 = arith.muli %and3A_371, %mul3A_372 : i32
      %get3A_374 = arith.index_cast %shift_right_arithmetic3A_369 : i32 to index
      %get3A_375 = arith.index_cast %mul3A_373 : i32 to index
      %get3A_376 = tpu.vector_load %arg9[%get3A_374, %get3A_375] {strides = array<i32>} : memref<8x1024xf32, #tpu.memory_space<vmem>>, vector<1x16xf32>,
      %get3A_377 = vector.shape_cast %get3A_376 : vector<1x16xf32> to vector<16xf32>
      %get3A_378 = arith.index_cast %shift_right_arithmetic3A_369 : i32 to index
      %get3A_379 = arith.index_cast %mul3A_373 : i32 to index
      %get3A_380 = tpu.vector_load %arg7[%get3A_378, %get3A_379] {strides = array<i32>} : memref<8x1024xf32, #tpu.memory_space<vmem>>, vector<1x16xf32>,
      %get3A_381 = vector.shape_cast %get3A_380 : vector<1x16xf32> to vector<16xf32>
      %add3A_382 = arith.addf %get3A_377, %get3A_381 : vector<16xf32>
      %swap3A_383 = arith.index_cast %shift_right_arithmetic3A_369 : i32 to index
      %swap3A_384 = arith.index_cast %mul3A_373 : i32 to index
      %swap3A_385 = tpu.vector_load %arg11[%swap3A_383, %swap3A_384] {strides = array<i32>} : memref<8x1024xf32, #tpu.memory_space<vmem>>, vector<1x16xf32>,
      %swap3A_386 = vector.shape_cast %swap3A_385 : vector<1x16xf32> to vector<16xf32>
      %swap3A_387 = vector.shape_cast %add3A_382 : vector<16xf32> to vector<1x16xf32>
      tpu.vector_store %arg11[%swap3A_383, %swap3A_384], %swap3A_387 {strides = array<i32>} : memref<8x1024xf32, #tpu.memory_space<vmem>>, vector<1x16xf32>,
      %scan3A_388 = arith.constant 0 : i32
      %scan3A_389 = arith.constant 7 : i32
      %scan3A_390 = arith.addi %scan3A_232, %scan3A_389 : i32
      %shift_right_arithmetic3A_391 = arith.constant 6 : i32
      %shift_right_arithmetic3A_392 = arith.shrsi %scan3A_390, %shift_right_arithmetic3A_391 : i32
      %and3A_393 = arith.constant 63 : i32
      %and3A_394 = arith.andi %scan3A_390, %and3A_393 : i32
      %mul3A_395 = arith.constant 16 : i32
      %mul3A_396 = arith.muli %and3A_394, %mul3A_395 : i32
      %get3A_397 = arith.index_cast %shift_right_arithmetic3A_392 : i32 to index
      %get3A_398 = arith.index_cast %mul3A_396 : i32 to index
      %get3A_399 = tpu.vector_load %arg9[%get3A_397, %get3A_398] {strides = array<i32>} : memref<8x1024xf32, #tpu.memory_space<vmem>>, vector<1x16xf32>,
      %get3A_400 = vector.shape_cast %get3A_399 : vector<1x16xf32> to vector<16xf32>
      %get3A_401 = arith.index_cast %shift_right_arithmetic3A_392 : i32 to index
      %get3A_402 = arith.index_cast %mul3A_396 : i32 to index
      %get3A_403 = tpu.vector_load %arg7[%get3A_401, %get3A_402] {strides = array<i32>} : memref<8x1024xf32, #tpu.memory_space<vmem>>, vector<1x16xf32>,
      %get3A_404 = vector.shape_cast %get3A_403 : vector<1x16xf32> to vector<16xf32>
      %add3A_405 = arith.addf %get3A_400, %get3A_404 : vector<16xf32>
      %swap3A_406 = arith.index_cast %shift_right_arithmetic3A_392 : i32 to index
      %swap3A_407 = arith.index_cast %mul3A_396 : i32 to index
      %swap3A_408 = tpu.vector_load %arg11[%swap3A_406, %swap3A_407] {strides = array<i32>} : memref<8x1024xf32, #tpu.memory_space<vmem>>, vector<1x16xf32>,
      %swap3A_409 = vector.shape_cast %swap3A_408 : vector<1x16xf32> to vector<16xf32>
      %swap3A_410 = vector.shape_cast %add3A_405 : vector<16xf32> to vector<1x16xf32>
      tpu.vector_store %arg11[%swap3A_406, %swap3A_407], %swap3A_410 {strides = array<i32>} : memref<8x1024xf32, #tpu.memory_space<vmem>>, vector<1x16xf32>,
      %scan3A_411 = arith.constant 0 : i32
      scf.yield %scan3A_411 : i32
    }
    %scan3A_54 = arith.constant 512 : i32
    %add3A_55 = arith.constant 12032 : i32
    %add3A_56 = arith.addi %add3A_55, %mul3A_2 : i32
    %add3A_57 = arith.constant 0 : i32
    %add3A_58 = arith.addi %add3A_56, %add3A_57 : i32
    %add3A_59 = arith.constant 512 : i32
    %add3A_60 = arith.addi %add3A_59, %mul3A_2 : i32
    %add3A_61 = arith.constant 0 : i32
    %add3A_62 = arith.addi %add3A_60, %add3A_61 : i32
    %dma_start3A_63 = arith.constant 0 : i32
    %dma_start3A_64 = tpu.memref_slice %arg2[%add3A_58, %dma_start3A_63] : memref<16384x1024xf32, #tpu.memory_space<hbm>> -> memref<8x1024xf32, #tpu.memory_space<hbm>>
    %dma_start3A_65 = arith.constant 0 : i32
    %dma_start3A_66 = tpu.memref_slice %arg2[%add3A_58, %dma_start3A_65] : memref<16384x1024xf32, #tpu.memory_space<hbm>> -> memref<8x1024xf32, #tpu.memory_space<hbm>>
    tpu.enqueue_dma source(%dma_start3A_66 : memref<8x1024xf32, #tpu.memory_space<hbm>>) target(%arg9 : memref<8x1024xf32, #tpu.memory_space<vmem>>) target_semaphore(%arg15 : memref<!tpu.dma_semaphore, #tpu.memory_space<semaphore_mem>>)
    %add3A_67 = arith.constant 3840 : i32
    %add3A_68 = arith.addi %add3A_67, %mul3A_2 : i32
    %add3A_69 = arith.constant 0 : i32
    %add3A_70 = arith.addi %add3A_68, %add3A_69 : i32
    %add3A_71 = arith.constant 0 : i32
    %add3A_72 = arith.addi %add3A_71, %mul3A_2 : i32
    %add3A_73 = arith.constant 0 : i32
    %add3A_74 = arith.addi %add3A_72, %add3A_73 : i32
    %dma_start3A_75 = arith.constant 0 : i32
    %dma_start3A_76 = tpu.memref_slice %arg5[%add3A_74, %dma_start3A_75] : memref<1024x1024xf32, #tpu.memory_space<hbm>> -> memref<8x1024xf32, #tpu.memory_space<hbm>>
    %dma_start3A_77 = arith.constant 0 : i32
    %dma_start3A_78 = tpu.memref_slice %arg5[%add3A_74, %dma_start3A_77] : memref<1024x1024xf32, #tpu.memory_space<hbm>> -> memref<8x1024xf32, #tpu.memory_space<hbm>>
    tpu.enqueue_dma source(%arg11 : memref<8x1024xf32, #tpu.memory_space<vmem>>) target(%dma_start3A_78 : memref<8x1024xf32, #tpu.memory_space<hbm>>) target_semaphore(%arg17 : memref<!tpu.dma_semaphore, #tpu.memory_space<semaphore_mem>>)
    %add3A_79 = arith.constant 7936 : i32
    %add3A_80 = arith.addi %add3A_79, %mul3A_2 : i32
    %add3A_81 = arith.constant 0 : i32
    %add3A_82 = arith.addi %add3A_80, %add3A_81 : i32
    %add3A_83 = arith.constant 256 : i32
    %add3A_84 = arith.addi %add3A_83, %mul3A_2 : i32
    %add3A_85 = arith.constant 0 : i32
    %add3A_86 = arith.addi %add3A_84, %add3A_85 : i32
    %dma_wait3A_87 = arith.constant 0 : i32
    %dma_wait3A_88 = tpu.memref_slice %arg2[%add3A_82, %dma_wait3A_87] : memref<16384x1024xf32, #tpu.memory_space<hbm>> -> memref<8x1024xf32, #tpu.memory_space<hbm>>
    %dma_wait3A_89 = arith.constant 0 : i32
    %dma_wait3A_90 = tpu.memref_slice %arg2[%add3A_82, %dma_wait3A_89] : memref<16384x1024xf32, #tpu.memory_space<hbm>> -> memref<8x1024xf32, #tpu.memory_space<hbm>>
    tpu.wait_dma2 semaphore(%arg16 : memref<!tpu.dma_semaphore, #tpu.memory_space<semaphore_mem>>) src(%dma_wait3A_90 : memref<8x1024xf32, #tpu.memory_space<hbm>>) dst(%arg10 : memref<8x1024xf32, #tpu.memory_space<vmem>>)
    %scan3A_91 = arith.constant 0 : i32
    %scan3A_92 = arith.constant 0 : i32
    %scan3A_93 = arith.constant 512 : i32
    %scan3A_94 = arith.addi %scan3A_92, %scan3A_93 : i32
    %scan3A_95 = arith.constant 8 : i32
    %scan3A_96 = scf.for %scan3A_232 = %scan3A_92 to %scan3A_94 step %scan3A_95 iter_args(%scan3A_233 = %scan3A_91) -> (i32)  : i32 {
      %shift_right_arithmetic3A = arith.constant 6 : i32
      %shift_right_arithmetic3A_234 = arith.shrsi %scan3A_232, %shift_right_arithmetic3A : i32
      %and3A = arith.constant 63 : i32
      %and3A_235 = arith.andi %scan3A_232, %and3A : i32
      %mul3A_236 = arith.constant 16 : i32
      %mul3A_237 = arith.muli %and3A_235, %mul3A_236 : i32
      %get3A = arith.index_cast %shift_right_arithmetic3A_234 : i32 to index
      %get3A_238 = arith.index_cast %mul3A_237 : i32 to index
      %get3A_239 = tpu.vector_load %arg10[%get3A, %get3A_238] {strides = array<i32>} : memref<8x1024xf32, #tpu.memory_space<vmem>>, vector<1x16xf32>,
      %get3A_240 = vector.shape_cast %get3A_239 : vector<1x16xf32> to vector<16xf32>
      %get3A_241 = arith.index_cast %shift_right_arithmetic3A_234 : i32 to index
      %get3A_242 = arith.index_cast %mul3A_237 : i32 to index
      %get3A_243 = tpu.vector_load %arg7[%get3A_241, %get3A_242] {strides = array<i32>} : memref<8x1024xf32, #tpu.memory_space<vmem>>, vector<1x16xf32>,
      %get3A_244 = vector.shape_cast %get3A_243 : vector<1x16xf32> to vector<16xf32>
      %add3A_245 = arith.addf %get3A_240, %get3A_244 : vector<16xf32>
      %swap3A = arith.index_cast %shift_right_arithmetic3A_234 : i32 to index
      %swap3A_246 = arith.index_cast %mul3A_237 : i32 to index
      %swap3A_247 = tpu.vector_load %arg12[%swap3A, %swap3A_246] {strides = array<i32>} : memref<8x1024xf32, #tpu.memory_space<vmem>>, vector<1x16xf32>,
      %swap3A_248 = vector.shape_cast %swap3A_247 : vector<1x16xf32> to vector<16xf32>
      %swap3A_249 = vector.shape_cast %add3A_245 : vector<16xf32> to vector<1x16xf32>
      tpu.vector_store %arg12[%swap3A, %swap3A_246], %swap3A_249 {strides = array<i32>} : memref<8x1024xf32, #tpu.memory_space<vmem>>, vector<1x16xf32>,
      %scan3A_250 = arith.constant 0 : i32
      %scan3A_251 = arith.constant 1 : i32
      %scan3A_252 = arith.addi %scan3A_232, %scan3A_251 : i32
      %shift_right_arithmetic3A_253 = arith.constant 6 : i32
      %shift_right_arithmetic3A_254 = arith.shrsi %scan3A_252, %shift_right_arithmetic3A_253 : i32
      %and3A_255 = arith.constant 63 : i32
      %and3A_256 = arith.andi %scan3A_252, %and3A_255 : i32
      %mul3A_257 = arith.constant 16 : i32
      %mul3A_258 = arith.muli %and3A_256, %mul3A_257 : i32
      %get3A_259 = arith.index_cast %shift_right_arithmetic3A_254 : i32 to index
      %get3A_260 = arith.index_cast %mul3A_258 : i32 to index
      %get3A_261 = tpu.vector_load %arg10[%get3A_259, %get3A_260] {strides = array<i32>} : memref<8x1024xf32, #tpu.memory_space<vmem>>, vector<1x16xf32>,
      %get3A_262 = vector.shape_cast %get3A_261 : vector<1x16xf32> to vector<16xf32>
      %get3A_263 = arith.index_cast %shift_right_arithmetic3A_254 : i32 to index
      %get3A_264 = arith.index_cast %mul3A_258 : i32 to index
      %get3A_265 = tpu.vector_load %arg7[%get3A_263, %get3A_264] {strides = array<i32>} : memref<8x1024xf32, #tpu.memory_space<vmem>>, vector<1x16xf32>,
      %get3A_266 = vector.shape_cast %get3A_265 : vector<1x16xf32> to vector<16xf32>
      %add3A_267 = arith.addf %get3A_262, %get3A_266 : vector<16xf32>
      %swap3A_268 = arith.index_cast %shift_right_arithmetic3A_254 : i32 to index
      %swap3A_269 = arith.index_cast %mul3A_258 : i32 to index
      %swap3A_270 = tpu.vector_load %arg12[%swap3A_268, %swap3A_269] {strides = array<i32>} : memref<8x1024xf32, #tpu.memory_space<vmem>>, vector<1x16xf32>,
      %swap3A_271 = vector.shape_cast %swap3A_270 : vector<1x16xf32> to vector<16xf32>
      %swap3A_272 = vector.shape_cast %add3A_267 : vector<16xf32> to vector<1x16xf32>
      tpu.vector_store %arg12[%swap3A_268, %swap3A_269], %swap3A_272 {strides = array<i32>} : memref<8x1024xf32, #tpu.memory_space<vmem>>, vector<1x16xf32>,
      %scan3A_273 = arith.constant 0 : i32
      %scan3A_274 = arith.constant 2 : i32
      %scan3A_275 = arith.addi %scan3A_232, %scan3A_274 : i32
      %shift_right_arithmetic3A_276 = arith.constant 6 : i32
      %shift_right_arithmetic3A_277 = arith.shrsi %scan3A_275, %shift_right_arithmetic3A_276 : i32
      %and3A_278 = arith.constant 63 : i32
      %and3A_279 = arith.andi %scan3A_275, %and3A_278 : i32
      %mul3A_280 = arith.constant 16 : i32
      %mul3A_281 = arith.muli %and3A_279, %mul3A_280 : i32
      %get3A_282 = arith.index_cast %shift_right_arithmetic3A_277 : i32 to index
      %get3A_283 = arith.index_cast %mul3A_281 : i32 to index
      %get3A_284 = tpu.vector_load %arg10[%get3A_282, %get3A_283] {strides = array<i32>} : memref<8x1024xf32, #tpu.memory_space<vmem>>, vector<1x16xf32>,
      %get3A_285 = vector.shape_cast %get3A_284 : vector<1x16xf32> to vector<16xf32>
      %get3A_286 = arith.index_cast %shift_right_arithmetic3A_277 : i32 to index
      %get3A_287 = arith.index_cast %mul3A_281 : i32 to index
      %get3A_288 = tpu.vector_load %arg7[%get3A_286, %get3A_287] {strides = array<i32>} : memref<8x1024xf32, #tpu.memory_space<vmem>>, vector<1x16xf32>,
      %get3A_289 = vector.shape_cast %get3A_288 : vector<1x16xf32> to vector<16xf32>
      %add3A_290 = arith.addf %get3A_285, %get3A_289 : vector<16xf32>
      %swap3A_291 = arith.index_cast %shift_right_arithmetic3A_277 : i32 to index
      %swap3A_292 = arith.index_cast %mul3A_281 : i32 to index
      %swap3A_293 = tpu.vector_load %arg12[%swap3A_291, %swap3A_292] {strides = array<i32>} : memref<8x1024xf32, #tpu.memory_space<vmem>>, vector<1x16xf32>,
      %swap3A_294 = vector.shape_cast %swap3A_293 : vector<1x16xf32> to vector<16xf32>
      %swap3A_295 = vector.shape_cast %add3A_290 : vector<16xf32> to vector<1x16xf32>
      tpu.vector_store %arg12[%swap3A_291, %swap3A_292], %swap3A_295 {strides = array<i32>} : memref<8x1024xf32, #tpu.memory_space<vmem>>, vector<1x16xf32>,
      %scan3A_296 = arith.constant 0 : i32
      %scan3A_297 = arith.constant 3 : i32
      %scan3A_298 = arith.addi %scan3A_232, %scan3A_297 : i32
      %shift_right_arithmetic3A_299 = arith.constant 6 : i32
      %shift_right_arithmetic3A_300 = arith.shrsi %scan3A_298, %shift_right_arithmetic3A_299 : i32
      %and3A_301 = arith.constant 63 : i32
      %and3A_302 = arith.andi %scan3A_298, %and3A_301 : i32
      %mul3A_303 = arith.constant 16 : i32
      %mul3A_304 = arith.muli %and3A_302, %mul3A_303 : i32
      %get3A_305 = arith.index_cast %shift_right_arithmetic3A_300 : i32 to index
      %get3A_306 = arith.index_cast %mul3A_304 : i32 to index
      %get3A_307 = tpu.vector_load %arg10[%get3A_305, %get3A_306] {strides = array<i32>} : memref<8x1024xf32, #tpu.memory_space<vmem>>, vector<1x16xf32>,
      %get3A_308 = vector.shape_cast %get3A_307 : vector<1x16xf32> to vector<16xf32>
      %get3A_309 = arith.index_cast %shift_right_arithmetic3A_300 : i32 to index
      %get3A_310 = arith.index_cast %mul3A_304 : i32 to index
      %get3A_311 = tpu.vector_load %arg7[%get3A_309, %get3A_310] {strides = array<i32>} : memref<8x1024xf32, #tpu.memory_space<vmem>>, vector<1x16xf32>,
      %get3A_312 = vector.shape_cast %get3A_311 : vector<1x16xf32> to vector<16xf32>
      %add3A_313 = arith.addf %get3A_308, %get3A_312 : vector<16xf32>
      %swap3A_314 = arith.index_cast %shift_right_arithmetic3A_300 : i32 to index
      %swap3A_315 = arith.index_cast %mul3A_304 : i32 to index
      %swap3A_316 = tpu.vector_load %arg12[%swap3A_314, %swap3A_315] {strides = array<i32>} : memref<8x1024xf32, #tpu.memory_space<vmem>>, vector<1x16xf32>,
      %swap3A_317 = vector.shape_cast %swap3A_316 : vector<1x16xf32> to vector<16xf32>
      %swap3A_318 = vector.shape_cast %add3A_313 : vector<16xf32> to vector<1x16xf32>
      tpu.vector_store %arg12[%swap3A_314, %swap3A_315], %swap3A_318 {strides = array<i32>} : memref<8x1024xf32, #tpu.memory_space<vmem>>, vector<1x16xf32>,
      %scan3A_319 = arith.constant 0 : i32
      %scan3A_320 = arith.constant 4 : i32
      %scan3A_321 = arith.addi %scan3A_232, %scan3A_320 : i32
      %shift_right_arithmetic3A_322 = arith.constant 6 : i32
      %shift_right_arithmetic3A_323 = arith.shrsi %scan3A_321, %shift_right_arithmetic3A_322 : i32
      %and3A_324 = arith.constant 63 : i32
      %and3A_325 = arith.andi %scan3A_321, %and3A_324 : i32
      %mul3A_326 = arith.constant 16 : i32
      %mul3A_327 = arith.muli %and3A_325, %mul3A_326 : i32
      %get3A_328 = arith.index_cast %shift_right_arithmetic3A_323 : i32 to index
      %get3A_329 = arith.index_cast %mul3A_327 : i32 to index
      %get3A_330 = tpu.vector_load %arg10[%get3A_328, %get3A_329] {strides = array<i32>} : memref<8x1024xf32, #tpu.memory_space<vmem>>, vector<1x16xf32>,
      %get3A_331 = vector.shape_cast %get3A_330 : vector<1x16xf32> to vector<16xf32>
      %get3A_332 = arith.index_cast %shift_right_arithmetic3A_323 : i32 to index
      %get3A_333 = arith.index_cast %mul3A_327 : i32 to index
      %get3A_334 = tpu.vector_load %arg7[%get3A_332, %get3A_333] {strides = array<i32>} : memref<8x1024xf32, #tpu.memory_space<vmem>>, vector<1x16xf32>,
      %get3A_335 = vector.shape_cast %get3A_334 : vector<1x16xf32> to vector<16xf32>
      %add3A_336 = arith.addf %get3A_331, %get3A_335 : vector<16xf32>
      %swap3A_337 = arith.index_cast %shift_right_arithmetic3A_323 : i32 to index
      %swap3A_338 = arith.index_cast %mul3A_327 : i32 to index
      %swap3A_339 = tpu.vector_load %arg12[%swap3A_337, %swap3A_338] {strides = array<i32>} : memref<8x1024xf32, #tpu.memory_space<vmem>>, vector<1x16xf32>,
      %swap3A_340 = vector.shape_cast %swap3A_339 : vector<1x16xf32> to vector<16xf32>
      %swap3A_341 = vector.shape_cast %add3A_336 : vector<16xf32> to vector<1x16xf32>
      tpu.vector_store %arg12[%swap3A_337, %swap3A_338], %swap3A_341 {strides = array<i32>} : memref<8x1024xf32, #tpu.memory_space<vmem>>, vector<1x16xf32>,
      %scan3A_342 = arith.constant 0 : i32
      %scan3A_343 = arith.constant 5 : i32
      %scan3A_344 = arith.addi %scan3A_232, %scan3A_343 : i32
      %shift_right_arithmetic3A_345 = arith.constant 6 : i32
      %shift_right_arithmetic3A_346 = arith.shrsi %scan3A_344, %shift_right_arithmetic3A_345 : i32
      %and3A_347 = arith.constant 63 : i32
      %and3A_348 = arith.andi %scan3A_344, %and3A_347 : i32
      %mul3A_349 = arith.constant 16 : i32
      %mul3A_350 = arith.muli %and3A_348, %mul3A_349 : i32
      %get3A_351 = arith.index_cast %shift_right_arithmetic3A_346 : i32 to index
      %get3A_352 = arith.index_cast %mul3A_350 : i32 to index
      %get3A_353 = tpu.vector_load %arg10[%get3A_351, %get3A_352] {strides = array<i32>} : memref<8x1024xf32, #tpu.memory_space<vmem>>, vector<1x16xf32>,
      %get3A_354 = vector.shape_cast %get3A_353 : vector<1x16xf32> to vector<16xf32>
      %get3A_355 = arith.index_cast %shift_right_arithmetic3A_346 : i32 to index
      %get3A_356 = arith.index_cast %mul3A_350 : i32 to index
      %get3A_357 = tpu.vector_load %arg7[%get3A_355, %get3A_356] {strides = array<i32>} : memref<8x1024xf32, #tpu.memory_space<vmem>>, vector<1x16xf32>,
      %get3A_358 = vector.shape_cast %get3A_357 : vector<1x16xf32> to vector<16xf32>
      %add3A_359 = arith.addf %get3A_354, %get3A_358 : vector<16xf32>
      %swap3A_360 = arith.index_cast %shift_right_arithmetic3A_346 : i32 to index
      %swap3A_361 = arith.index_cast %mul3A_350 : i32 to index
      %swap3A_362 = tpu.vector_load %arg12[%swap3A_360, %swap3A_361] {strides = array<i32>} : memref<8x1024xf32, #tpu.memory_space<vmem>>, vector<1x16xf32>,
      %swap3A_363 = vector.shape_cast %swap3A_362 : vector<1x16xf32> to vector<16xf32>
      %swap3A_364 = vector.shape_cast %add3A_359 : vector<16xf32> to vector<1x16xf32>
      tpu.vector_store %arg12[%swap3A_360, %swap3A_361], %swap3A_364 {strides = array<i32>} : memref<8x1024xf32, #tpu.memory_space<vmem>>, vector<1x16xf32>,
      %scan3A_365 = arith.constant 0 : i32
      %scan3A_366 = arith.constant 6 : i32
      %scan3A_367 = arith.addi %scan3A_232, %scan3A_366 : i32
      %shift_right_arithmetic3A_368 = arith.constant 6 : i32
      %shift_right_arithmetic3A_369 = arith.shrsi %scan3A_367, %shift_right_arithmetic3A_368 : i32
      %and3A_370 = arith.constant 63 : i32
      %and3A_371 = arith.andi %scan3A_367, %and3A_370 : i32
      %mul3A_372 = arith.constant 16 : i32
      %mul3A_373 = arith.muli %and3A_371, %mul3A_372 : i32
      %get3A_374 = arith.index_cast %shift_right_arithmetic3A_369 : i32 to index
      %get3A_375 = arith.index_cast %mul3A_373 : i32 to index
      %get3A_376 = tpu.vector_load %arg10[%get3A_374, %get3A_375] {strides = array<i32>} : memref<8x1024xf32, #tpu.memory_space<vmem>>, vector<1x16xf32>,
      %get3A_377 = vector.shape_cast %get3A_376 : vector<1x16xf32> to vector<16xf32>
      %get3A_378 = arith.index_cast %shift_right_arithmetic3A_369 : i32 to index
      %get3A_379 = arith.index_cast %mul3A_373 : i32 to index
      %get3A_380 = tpu.vector_load %arg7[%get3A_378, %get3A_379] {strides = array<i32>} : memref<8x1024xf32, #tpu.memory_space<vmem>>, vector<1x16xf32>,
      %get3A_381 = vector.shape_cast %get3A_380 : vector<1x16xf32> to vector<16xf32>
      %add3A_382 = arith.addf %get3A_377, %get3A_381 : vector<16xf32>
      %swap3A_383 = arith.index_cast %shift_right_arithmetic3A_369 : i32 to index
      %swap3A_384 = arith.index_cast %mul3A_373 : i32 to index
      %swap3A_385 = tpu.vector_load %arg12[%swap3A_383, %swap3A_384] {strides = array<i32>} : memref<8x1024xf32, #tpu.memory_space<vmem>>, vector<1x16xf32>,
      %swap3A_386 = vector.shape_cast %swap3A_385 : vector<1x16xf32> to vector<16xf32>
      %swap3A_387 = vector.shape_cast %add3A_382 : vector<16xf32> to vector<1x16xf32>
      tpu.vector_store %arg12[%swap3A_383, %swap3A_384], %swap3A_387 {strides = array<i32>} : memref<8x1024xf32, #tpu.memory_space<vmem>>, vector<1x16xf32>,
      %scan3A_388 = arith.constant 0 : i32
      %scan3A_389 = arith.constant 7 : i32
      %scan3A_390 = arith.addi %scan3A_232, %scan3A_389 : i32
      %shift_right_arithmetic3A_391 = arith.constant 6 : i32
      %shift_right_arithmetic3A_392 = arith.shrsi %scan3A_390, %shift_right_arithmetic3A_391 : i32
      %and3A_393 = arith.constant 63 : i32
      %and3A_394 = arith.andi %scan3A_390, %and3A_393 : i32
      %mul3A_395 = arith.constant 16 : i32
      %mul3A_396 = arith.muli %and3A_394, %mul3A_395 : i32
      %get3A_397 = arith.index_cast %shift_right_arithmetic3A_392 : i32 to index
      %get3A_398 = arith.index_cast %mul3A_396 : i32 to index
      %get3A_399 = tpu.vector_load %arg10[%get3A_397, %get3A_398] {strides = array<i32>} : memref<8x1024xf32, #tpu.memory_space<vmem>>, vector<1x16xf32>,
      %get3A_400 = vector.shape_cast %get3A_399 : vector<1x16xf32> to vector<16xf32>
      %get3A_401 = arith.index_cast %shift_right_arithmetic3A_392 : i32 to index
      %get3A_402 = arith.index_cast %mul3A_396 : i32 to index
      %get3A_403 = tpu.vector_load %arg7[%get3A_401, %get3A_402] {strides = array<i32>} : memref<8x1024xf32, #tpu.memory_space<vmem>>, vector<1x16xf32>,
      %get3A_404 = vector.shape_cast %get3A_403 : vector<1x16xf32> to vector<16xf32>
      %add3A_405 = arith.addf %get3A_400, %get3A_404 : vector<16xf32>
      %swap3A_406 = arith.index_cast %shift_right_arithmetic3A_392 : i32 to index
      %swap3A_407 = arith.index_cast %mul3A_396 : i32 to index
      %swap3A_408 = tpu.vector_load %arg12[%swap3A_406, %swap3A_407] {strides = array<i32>} : memref<8x1024xf32, #tpu.memory_space<vmem>>, vector<1x16xf32>,
      %swap3A_409 = vector.shape_cast %swap3A_408 : vector<1x16xf32> to vector<16xf32>
      %swap3A_410 = vector.shape_cast %add3A_405 : vector<16xf32> to vector<1x16xf32>
      tpu.vector_store %arg12[%swap3A_406, %swap3A_407], %swap3A_410 {strides = array<i32>} : memref<8x1024xf32, #tpu.memory_space<vmem>>, vector<1x16xf32>,
      %scan3A_411 = arith.constant 0 : i32
      scf.yield %scan3A_411 : i32
    }
    %scan3A_97 = arith.constant 512 : i32
    %add3A_98 = arith.constant 16128 : i32
    %add3A_99 = arith.addi %add3A_98, %mul3A_2 : i32
    %add3A_100 = arith.constant 0 : i32
    %add3A_101 = arith.addi %add3A_99, %add3A_100 : i32
    %add3A_102 = arith.constant 768 : i32
    %add3A_103 = arith.addi %add3A_102, %mul3A_2 : i32
    %add3A_104 = arith.constant 0 : i32
    %add3A_105 = arith.addi %add3A_103, %add3A_104 : i32
    %dma_start3A_106 = arith.constant 0 : i32
    %dma_start3A_107 = tpu.memref_slice %arg2[%add3A_101, %dma_start3A_106] : memref<16384x1024xf32, #tpu.memory_space<hbm>> -> memref<8x1024xf32, #tpu.memory_space<hbm>>
    %dma_start3A_108 = arith.constant 0 : i32
    %dma_start3A_109 = tpu.memref_slice %arg2[%add3A_101, %dma_start3A_108] : memref<16384x1024xf32, #tpu.memory_space<hbm>> -> memref<8x1024xf32, #tpu.memory_space<hbm>>
    tpu.enqueue_dma source(%dma_start3A_109 : memref<8x1024xf32, #tpu.memory_space<hbm>>) target(%arg10 : memref<8x1024xf32, #tpu.memory_space<vmem>>) target_semaphore(%arg16 : memref<!tpu.dma_semaphore, #tpu.memory_space<semaphore_mem>>)
    %add3A_110 = arith.constant 7936 : i32
    %add3A_111 = arith.addi %add3A_110, %mul3A_2 : i32
    %add3A_112 = arith.constant 0 : i32
    %add3A_113 = arith.addi %add3A_111, %add3A_112 : i32
    %add3A_114 = arith.constant 256 : i32
    %add3A_115 = arith.addi %add3A_114, %mul3A_2 : i32
    %add3A_116 = arith.constant 0 : i32
    %add3A_117 = arith.addi %add3A_115, %add3A_116 : i32
    %dma_start3A_118 = arith.constant 0 : i32
    %dma_start3A_119 = tpu.memref_slice %arg5[%add3A_117, %dma_start3A_118] : memref<1024x1024xf32, #tpu.memory_space<hbm>> -> memref<8x1024xf32, #tpu.memory_space<hbm>>
    %dma_start3A_120 = arith.constant 0 : i32
    %dma_start3A_121 = tpu.memref_slice %arg5[%add3A_117, %dma_start3A_120] : memref<1024x1024xf32, #tpu.memory_space<hbm>> -> memref<8x1024xf32, #tpu.memory_space<hbm>>
    tpu.enqueue_dma source(%arg12 : memref<8x1024xf32, #tpu.memory_space<vmem>>) target(%dma_start3A_121 : memref<8x1024xf32, #tpu.memory_space<hbm>>) target_semaphore(%arg18 : memref<!tpu.dma_semaphore, #tpu.memory_space<semaphore_mem>>)
    %add3A_122 = arith.constant 12032 : i32
    %add3A_123 = arith.addi %add3A_122, %mul3A_2 : i32
    %add3A_124 = arith.constant 0 : i32
    %add3A_125 = arith.addi %add3A_123, %add3A_124 : i32
    %add3A_126 = arith.constant 512 : i32
    %add3A_127 = arith.addi %add3A_126, %mul3A_2 : i32
    %add3A_128 = arith.constant 0 : i32
    %add3A_129 = arith.addi %add3A_127, %add3A_128 : i32
    %dma_wait3A_130 = arith.constant 0 : i32
    %dma_wait3A_131 = tpu.memref_slice %arg2[%add3A_125, %dma_wait3A_130] : memref<16384x1024xf32, #tpu.memory_space<hbm>> -> memref<8x1024xf32, #tpu.memory_space<hbm>>
    %dma_wait3A_132 = arith.constant 0 : i32
    %dma_wait3A_133 = tpu.memref_slice %arg2[%add3A_125, %dma_wait3A_132] : memref<16384x1024xf32, #tpu.memory_space<hbm>> -> memref<8x1024xf32, #tpu.memory_space<hbm>>
    tpu.wait_dma2 semaphore(%arg15 : memref<!tpu.dma_semaphore, #tpu.memory_space<semaphore_mem>>) src(%dma_wait3A_133 : memref<8x1024xf32, #tpu.memory_space<hbm>>) dst(%arg9 : memref<8x1024xf32, #tpu.memory_space<vmem>>)
    %add3A_134 = arith.constant 3840 : i32
    %add3A_135 = arith.addi %add3A_134, %mul3A_2 : i32
    %add3A_136 = arith.constant 0 : i32
    %add3A_137 = arith.addi %add3A_135, %add3A_136 : i32
    %add3A_138 = arith.constant 0 : i32
    %add3A_139 = arith.addi %add3A_138, %mul3A_2 : i32
    %add3A_140 = arith.constant 0 : i32
    %add3A_141 = arith.addi %add3A_139, %add3A_140 : i32
    %dma_wait3A_142 = arith.constant 0 : i32
    %dma_wait3A_143 = tpu.memref_slice %arg5[%add3A_141, %dma_wait3A_142] : memref<1024x1024xf32, #tpu.memory_space<hbm>> -> memref<8x1024xf32, #tpu.memory_space<hbm>>
    %dma_wait3A_144 = arith.constant 0 : i32
    %dma_wait3A_145 = tpu.memref_slice %arg5[%add3A_141, %dma_wait3A_144] : memref<1024x1024xf32, #tpu.memory_space<hbm>> -> memref<8x1024xf32, #tpu.memory_space<hbm>>
    tpu.wait_dma2 semaphore(%arg17 : memref<!tpu.dma_semaphore, #tpu.memory_space<semaphore_mem>>) src(%arg11 : memref<8x1024xf32, #tpu.memory_space<vmem>>) dst(%dma_wait3A_145 : memref<8x1024xf32, #tpu.memory_space<hbm>>)
    %scan3A_146 = arith.constant 0 : i32
    %scan3A_147 = arith.constant 0 : i32
    %scan3A_148 = arith.constant 512 : i32
    %scan3A_149 = arith.addi %scan3A_147, %scan3A_148 : i32
    %scan3A_150 = arith.constant 8 : i32
    %scan3A_151 = scf.for %scan3A_232 = %scan3A_147 to %scan3A_149 step %scan3A_150 iter_args(%scan3A_233 = %scan3A_146) -> (i32)  : i32 {
      %shift_right_arithmetic3A = arith.constant 6 : i32
      %shift_right_arithmetic3A_234 = arith.shrsi %scan3A_232, %shift_right_arithmetic3A : i32
      %and3A = arith.constant 63 : i32
      %and3A_235 = arith.andi %scan3A_232, %and3A : i32
      %mul3A_236 = arith.constant 16 : i32
      %mul3A_237 = arith.muli %and3A_235, %mul3A_236 : i32
      %get3A = arith.index_cast %shift_right_arithmetic3A_234 : i32 to index
      %get3A_238 = arith.index_cast %mul3A_237 : i32 to index
      %get3A_239 = tpu.vector_load %arg9[%get3A, %get3A_238] {strides = array<i32>} : memref<8x1024xf32, #tpu.memory_space<vmem>>, vector<1x16xf32>,
      %get3A_240 = vector.shape_cast %get3A_239 : vector<1x16xf32> to vector<16xf32>
      %get3A_241 = arith.index_cast %shift_right_arithmetic3A_234 : i32 to index
      %get3A_242 = arith.index_cast %mul3A_237 : i32 to index
      %get3A_243 = tpu.vector_load %arg7[%get3A_241, %get3A_242] {strides = array<i32>} : memref<8x1024xf32, #tpu.memory_space<vmem>>, vector<1x16xf32>,
      %get3A_244 = vector.shape_cast %get3A_243 : vector<1x16xf32> to vector<16xf32>
      %add3A_245 = arith.addf %get3A_240, %get3A_244 : vector<16xf32>
      %swap3A = arith.index_cast %shift_right_arithmetic3A_234 : i32 to index
      %swap3A_246 = arith.index_cast %mul3A_237 : i32 to index
      %swap3A_247 = tpu.vector_load %arg11[%swap3A, %swap3A_246] {strides = array<i32>} : memref<8x1024xf32, #tpu.memory_space<vmem>>, vector<1x16xf32>,
      %swap3A_248 = vector.shape_cast %swap3A_247 : vector<1x16xf32> to vector<16xf32>
      %swap3A_249 = vector.shape_cast %add3A_245 : vector<16xf32> to vector<1x16xf32>
      tpu.vector_store %arg11[%swap3A, %swap3A_246], %swap3A_249 {strides = array<i32>} : memref<8x1024xf32, #tpu.memory_space<vmem>>, vector<1x16xf32>,
      %scan3A_250 = arith.constant 0 : i32
      %scan3A_251 = arith.constant 1 : i32
      %scan3A_252 = arith.addi %scan3A_232, %scan3A_251 : i32
      %shift_right_arithmetic3A_253 = arith.constant 6 : i32
      %shift_right_arithmetic3A_254 = arith.shrsi %scan3A_252, %shift_right_arithmetic3A_253 : i32
      %and3A_255 = arith.constant 63 : i32
      %and3A_256 = arith.andi %scan3A_252, %and3A_255 : i32
      %mul3A_257 = arith.constant 16 : i32
      %mul3A_258 = arith.muli %and3A_256, %mul3A_257 : i32
      %get3A_259 = arith.index_cast %shift_right_arithmetic3A_254 : i32 to index
      %get3A_260 = arith.index_cast %mul3A_258 : i32 to index
      %get3A_261 = tpu.vector_load %arg9[%get3A_259, %get3A_260] {strides = array<i32>} : memref<8x1024xf32, #tpu.memory_space<vmem>>, vector<1x16xf32>,
      %get3A_262 = vector.shape_cast %get3A_261 : vector<1x16xf32> to vector<16xf32>
      %get3A_263 = arith.index_cast %shift_right_arithmetic3A_254 : i32 to index
      %get3A_264 = arith.index_cast %mul3A_258 : i32 to index
      %get3A_265 = tpu.vector_load %arg7[%get3A_263, %get3A_264] {strides = array<i32>} : memref<8x1024xf32, #tpu.memory_space<vmem>>, vector<1x16xf32>,
      %get3A_266 = vector.shape_cast %get3A_265 : vector<1x16xf32> to vector<16xf32>
      %add3A_267 = arith.addf %get3A_262, %get3A_266 : vector<16xf32>
      %swap3A_268 = arith.index_cast %shift_right_arithmetic3A_254 : i32 to index
      %swap3A_269 = arith.index_cast %mul3A_258 : i32 to index
      %swap3A_270 = tpu.vector_load %arg11[%swap3A_268, %swap3A_269] {strides = array<i32>} : memref<8x1024xf32, #tpu.memory_space<vmem>>, vector<1x16xf32>,
      %swap3A_271 = vector.shape_cast %swap3A_270 : vector<1x16xf32> to vector<16xf32>
      %swap3A_272 = vector.shape_cast %add3A_267 : vector<16xf32> to vector<1x16xf32>
      tpu.vector_store %arg11[%swap3A_268, %swap3A_269], %swap3A_272 {strides = array<i32>} : memref<8x1024xf32, #tpu.memory_space<vmem>>, vector<1x16xf32>,
      %scan3A_273 = arith.constant 0 : i32
      %scan3A_274 = arith.constant 2 : i32
      %scan3A_275 = arith.addi %scan3A_232, %scan3A_274 : i32
      %shift_right_arithmetic3A_276 = arith.constant 6 : i32
      %shift_right_arithmetic3A_277 = arith.shrsi %scan3A_275, %shift_right_arithmetic3A_276 : i32
      %and3A_278 = arith.constant 63 : i32
      %and3A_279 = arith.andi %scan3A_275, %and3A_278 : i32
      %mul3A_280 = arith.constant 16 : i32
      %mul3A_281 = arith.muli %and3A_279, %mul3A_280 : i32
      %get3A_282 = arith.index_cast %shift_right_arithmetic3A_277 : i32 to index
      %get3A_283 = arith.index_cast %mul3A_281 : i32 to index
      %get3A_284 = tpu.vector_load %arg9[%get3A_282, %get3A_283] {strides = array<i32>} : memref<8x1024xf32, #tpu.memory_space<vmem>>, vector<1x16xf32>,
      %get3A_285 = vector.shape_cast %get3A_284 : vector<1x16xf32> to vector<16xf32>
      %get3A_286 = arith.index_cast %shift_right_arithmetic3A_277 : i32 to index
      %get3A_287 = arith.index_cast %mul3A_281 : i32 to index
      %get3A_288 = tpu.vector_load %arg7[%get3A_286, %get3A_287] {strides = array<i32>} : memref<8x1024xf32, #tpu.memory_space<vmem>>, vector<1x16xf32>,
      %get3A_289 = vector.shape_cast %get3A_288 : vector<1x16xf32> to vector<16xf32>
      %add3A_290 = arith.addf %get3A_285, %get3A_289 : vector<16xf32>
      %swap3A_291 = arith.index_cast %shift_right_arithmetic3A_277 : i32 to index
      %swap3A_292 = arith.index_cast %mul3A_281 : i32 to index
      %swap3A_293 = tpu.vector_load %arg11[%swap3A_291, %swap3A_292] {strides = array<i32>} : memref<8x1024xf32, #tpu.memory_space<vmem>>, vector<1x16xf32>,
      %swap3A_294 = vector.shape_cast %swap3A_293 : vector<1x16xf32> to vector<16xf32>
      %swap3A_295 = vector.shape_cast %add3A_290 : vector<16xf32> to vector<1x16xf32>
      tpu.vector_store %arg11[%swap3A_291, %swap3A_292], %swap3A_295 {strides = array<i32>} : memref<8x1024xf32, #tpu.memory_space<vmem>>, vector<1x16xf32>,
      %scan3A_296 = arith.constant 0 : i32
      %scan3A_297 = arith.constant 3 : i32
      %scan3A_298 = arith.addi %scan3A_232, %scan3A_297 : i32
      %shift_right_arithmetic3A_299 = arith.constant 6 : i32
      %shift_right_arithmetic3A_300 = arith.shrsi %scan3A_298, %shift_right_arithmetic3A_299 : i32
      %and3A_301 = arith.constant 63 : i32
      %and3A_302 = arith.andi %scan3A_298, %and3A_301 : i32
      %mul3A_303 = arith.constant 16 : i32
      %mul3A_304 = arith.muli %and3A_302, %mul3A_303 : i32
      %get3A_305 = arith.index_cast %shift_right_arithmetic3A_300 : i32 to index
      %get3A_306 = arith.index_cast %mul3A_304 : i32 to index
      %get3A_307 = tpu.vector_load %arg9[%get3A_305, %get3A_306] {strides = array<i32>} : memref<8x1024xf32, #tpu.memory_space<vmem>>, vector<1x16xf32>,
      %get3A_308 = vector.shape_cast %get3A_307 : vector<1x16xf32> to vector<16xf32>
      %get3A_309 = arith.index_cast %shift_right_arithmetic3A_300 : i32 to index
      %get3A_310 = arith.index_cast %mul3A_304 : i32 to index
      %get3A_311 = tpu.vector_load %arg7[%get3A_309, %get3A_310] {strides = array<i32>} : memref<8x1024xf32, #tpu.memory_space<vmem>>, vector<1x16xf32>,
      %get3A_312 = vector.shape_cast %get3A_311 : vector<1x16xf32> to vector<16xf32>
      %add3A_313 = arith.addf %get3A_308, %get3A_312 : vector<16xf32>
      %swap3A_314 = arith.index_cast %shift_right_arithmetic3A_300 : i32 to index
      %swap3A_315 = arith.index_cast %mul3A_304 : i32 to index
      %swap3A_316 = tpu.vector_load %arg11[%swap3A_314, %swap3A_315] {strides = array<i32>} : memref<8x1024xf32, #tpu.memory_space<vmem>>, vector<1x16xf32>,
      %swap3A_317 = vector.shape_cast %swap3A_316 : vector<1x16xf32> to vector<16xf32>
      %swap3A_318 = vector.shape_cast %add3A_313 : vector<16xf32> to vector<1x16xf32>
      tpu.vector_store %arg11[%swap3A_314, %swap3A_315], %swap3A_318 {strides = array<i32>} : memref<8x1024xf32, #tpu.memory_space<vmem>>, vector<1x16xf32>,
      %scan3A_319 = arith.constant 0 : i32
      %scan3A_320 = arith.constant 4 : i32
      %scan3A_321 = arith.addi %scan3A_232, %scan3A_320 : i32
      %shift_right_arithmetic3A_322 = arith.constant 6 : i32
      %shift_right_arithmetic3A_323 = arith.shrsi %scan3A_321, %shift_right_arithmetic3A_322 : i32
      %and3A_324 = arith.constant 63 : i32
      %and3A_325 = arith.andi %scan3A_321, %and3A_324 : i32
      %mul3A_326 = arith.constant 16 : i32
      %mul3A_327 = arith.muli %and3A_325, %mul3A_326 : i32
      %get3A_328 = arith.index_cast %shift_right_arithmetic3A_323 : i32 to index
      %get3A_329 = arith.index_cast %mul3A_327 : i32 to index
      %get3A_330 = tpu.vector_load %arg9[%get3A_328, %get3A_329] {strides = array<i32>} : memref<8x1024xf32, #tpu.memory_space<vmem>>, vector<1x16xf32>,
      %get3A_331 = vector.shape_cast %get3A_330 : vector<1x16xf32> to vector<16xf32>
      %get3A_332 = arith.index_cast %shift_right_arithmetic3A_323 : i32 to index
      %get3A_333 = arith.index_cast %mul3A_327 : i32 to index
      %get3A_334 = tpu.vector_load %arg7[%get3A_332, %get3A_333] {strides = array<i32>} : memref<8x1024xf32, #tpu.memory_space<vmem>>, vector<1x16xf32>,
      %get3A_335 = vector.shape_cast %get3A_334 : vector<1x16xf32> to vector<16xf32>
      %add3A_336 = arith.addf %get3A_331, %get3A_335 : vector<16xf32>
      %swap3A_337 = arith.index_cast %shift_right_arithmetic3A_323 : i32 to index
      %swap3A_338 = arith.index_cast %mul3A_327 : i32 to index
      %swap3A_339 = tpu.vector_load %arg11[%swap3A_337, %swap3A_338] {strides = array<i32>} : memref<8x1024xf32, #tpu.memory_space<vmem>>, vector<1x16xf32>,
      %swap3A_340 = vector.shape_cast %swap3A_339 : vector<1x16xf32> to vector<16xf32>
      %swap3A_341 = vector.shape_cast %add3A_336 : vector<16xf32> to vector<1x16xf32>
      tpu.vector_store %arg11[%swap3A_337, %swap3A_338], %swap3A_341 {strides = array<i32>} : memref<8x1024xf32, #tpu.memory_space<vmem>>, vector<1x16xf32>,
      %scan3A_342 = arith.constant 0 : i32
      %scan3A_343 = arith.constant 5 : i32
      %scan3A_344 = arith.addi %scan3A_232, %scan3A_343 : i32
      %shift_right_arithmetic3A_345 = arith.constant 6 : i32
      %shift_right_arithmetic3A_346 = arith.shrsi %scan3A_344, %shift_right_arithmetic3A_345 : i32
      %and3A_347 = arith.constant 63 : i32
      %and3A_348 = arith.andi %scan3A_344, %and3A_347 : i32
      %mul3A_349 = arith.constant 16 : i32
      %mul3A_350 = arith.muli %and3A_348, %mul3A_349 : i32
      %get3A_351 = arith.index_cast %shift_right_arithmetic3A_346 : i32 to index
      %get3A_352 = arith.index_cast %mul3A_350 : i32 to index
      %get3A_353 = tpu.vector_load %arg9[%get3A_351, %get3A_352] {strides = array<i32>} : memref<8x1024xf32, #tpu.memory_space<vmem>>, vector<1x16xf32>,
      %get3A_354 = vector.shape_cast %get3A_353 : vector<1x16xf32> to vector<16xf32>
      %get3A_355 = arith.index_cast %shift_right_arithmetic3A_346 : i32 to index
      %get3A_356 = arith.index_cast %mul3A_350 : i32 to index
      %get3A_357 = tpu.vector_load %arg7[%get3A_355, %get3A_356] {strides = array<i32>} : memref<8x1024xf32, #tpu.memory_space<vmem>>, vector<1x16xf32>,
      %get3A_358 = vector.shape_cast %get3A_357 : vector<1x16xf32> to vector<16xf32>
      %add3A_359 = arith.addf %get3A_354, %get3A_358 : vector<16xf32>
      %swap3A_360 = arith.index_cast %shift_right_arithmetic3A_346 : i32 to index
      %swap3A_361 = arith.index_cast %mul3A_350 : i32 to index
      %swap3A_362 = tpu.vector_load %arg11[%swap3A_360, %swap3A_361] {strides = array<i32>} : memref<8x1024xf32, #tpu.memory_space<vmem>>, vector<1x16xf32>,
      %swap3A_363 = vector.shape_cast %swap3A_362 : vector<1x16xf32> to vector<16xf32>
      %swap3A_364 = vector.shape_cast %add3A_359 : vector<16xf32> to vector<1x16xf32>
      tpu.vector_store %arg11[%swap3A_360, %swap3A_361], %swap3A_364 {strides = array<i32>} : memref<8x1024xf32, #tpu.memory_space<vmem>>, vector<1x16xf32>,
      %scan3A_365 = arith.constant 0 : i32
      %scan3A_366 = arith.constant 6 : i32
      %scan3A_367 = arith.addi %scan3A_232, %scan3A_366 : i32
      %shift_right_arithmetic3A_368 = arith.constant 6 : i32
      %shift_right_arithmetic3A_369 = arith.shrsi %scan3A_367, %shift_right_arithmetic3A_368 : i32
      %and3A_370 = arith.constant 63 : i32
      %and3A_371 = arith.andi %scan3A_367, %and3A_370 : i32
      %mul3A_372 = arith.constant 16 : i32
      %mul3A_373 = arith.muli %and3A_371, %mul3A_372 : i32
      %get3A_374 = arith.index_cast %shift_right_arithmetic3A_369 : i32 to index
      %get3A_375 = arith.index_cast %mul3A_373 : i32 to index
      %get3A_376 = tpu.vector_load %arg9[%get3A_374, %get3A_375] {strides = array<i32>} : memref<8x1024xf32, #tpu.memory_space<vmem>>, vector<1x16xf32>,
      %get3A_377 = vector.shape_cast %get3A_376 : vector<1x16xf32> to vector<16xf32>
      %get3A_378 = arith.index_cast %shift_right_arithmetic3A_369 : i32 to index
      %get3A_379 = arith.index_cast %mul3A_373 : i32 to index
      %get3A_380 = tpu.vector_load %arg7[%get3A_378, %get3A_379] {strides = array<i32>} : memref<8x1024xf32, #tpu.memory_space<vmem>>, vector<1x16xf32>,
      %get3A_381 = vector.shape_cast %get3A_380 : vector<1x16xf32> to vector<16xf32>
      %add3A_382 = arith.addf %get3A_377, %get3A_381 : vector<16xf32>
      %swap3A_383 = arith.index_cast %shift_right_arithmetic3A_369 : i32 to index
      %swap3A_384 = arith.index_cast %mul3A_373 : i32 to index
      %swap3A_385 = tpu.vector_load %arg11[%swap3A_383, %swap3A_384] {strides = array<i32>} : memref<8x1024xf32, #tpu.memory_space<vmem>>, vector<1x16xf32>,
      %swap3A_386 = vector.shape_cast %swap3A_385 : vector<1x16xf32> to vector<16xf32>
      %swap3A_387 = vector.shape_cast %add3A_382 : vector<16xf32> to vector<1x16xf32>
      tpu.vector_store %arg11[%swap3A_383, %swap3A_384], %swap3A_387 {strides = array<i32>} : memref<8x1024xf32, #tpu.memory_space<vmem>>, vector<1x16xf32>,
      %scan3A_388 = arith.constant 0 : i32
      %scan3A_389 = arith.constant 7 : i32
      %scan3A_390 = arith.addi %scan3A_232, %scan3A_389 : i32
      %shift_right_arithmetic3A_391 = arith.constant 6 : i32
      %shift_right_arithmetic3A_392 = arith.shrsi %scan3A_390, %shift_right_arithmetic3A_391 : i32
      %and3A_393 = arith.constant 63 : i32
      %and3A_394 = arith.andi %scan3A_390, %and3A_393 : i32
      %mul3A_395 = arith.constant 16 : i32
      %mul3A_396 = arith.muli %and3A_394, %mul3A_395 : i32
      %get3A_397 = arith.index_cast %shift_right_arithmetic3A_392 : i32 to index
      %get3A_398 = arith.index_cast %mul3A_396 : i32 to index
      %get3A_399 = tpu.vector_load %arg9[%get3A_397, %get3A_398] {strides = array<i32>} : memref<8x1024xf32, #tpu.memory_space<vmem>>, vector<1x16xf32>,
      %get3A_400 = vector.shape_cast %get3A_399 : vector<1x16xf32> to vector<16xf32>
      %get3A_401 = arith.index_cast %shift_right_arithmetic3A_392 : i32 to index
      %get3A_402 = arith.index_cast %mul3A_396 : i32 to index
      %get3A_403 = tpu.vector_load %arg7[%get3A_401, %get3A_402] {strides = array<i32>} : memref<8x1024xf32, #tpu.memory_space<vmem>>, vector<1x16xf32>,
      %get3A_404 = vector.shape_cast %get3A_403 : vector<1x16xf32> to vector<16xf32>
      %add3A_405 = arith.addf %get3A_400, %get3A_404 : vector<16xf32>
      %swap3A_406 = arith.index_cast %shift_right_arithmetic3A_392 : i32 to index
      %swap3A_407 = arith.index_cast %mul3A_396 : i32 to index
      %swap3A_408 = tpu.vector_load %arg11[%swap3A_406, %swap3A_407] {strides = array<i32>} : memref<8x1024xf32, #tpu.memory_space<vmem>>, vector<1x16xf32>,
      %swap3A_409 = vector.shape_cast %swap3A_408 : vector<1x16xf32> to vector<16xf32>
      %swap3A_410 = vector.shape_cast %add3A_405 : vector<16xf32> to vector<1x16xf32>
      tpu.vector_store %arg11[%swap3A_406, %swap3A_407], %swap3A_410 {strides = array<i32>} : memref<8x1024xf32, #tpu.memory_space<vmem>>, vector<1x16xf32>,
      %scan3A_411 = arith.constant 0 : i32
      scf.yield %scan3A_411 : i32
    }
    %scan3A_152 = arith.constant 512 : i32
    %add3A_153 = arith.constant 12032 : i32
    %add3A_154 = arith.addi %add3A_153, %mul3A_2 : i32
    %add3A_155 = arith.constant 0 : i32
    %add3A_156 = arith.addi %add3A_154, %add3A_155 : i32
    %add3A_157 = arith.constant 512 : i32
    %add3A_158 = arith.addi %add3A_157, %mul3A_2 : i32
    %add3A_159 = arith.constant 0 : i32
    %add3A_160 = arith.addi %add3A_158, %add3A_159 : i32
    %dma_start3A_161 = arith.constant 0 : i32
    %dma_start3A_162 = tpu.memref_slice %arg5[%add3A_160, %dma_start3A_161] : memref<1024x1024xf32, #tpu.memory_space<hbm>> -> memref<8x1024xf32, #tpu.memory_space<hbm>>
    %dma_start3A_163 = arith.constant 0 : i32
    %dma_start3A_164 = tpu.memref_slice %arg5[%add3A_160, %dma_start3A_163] : memref<1024x1024xf32, #tpu.memory_space<hbm>> -> memref<8x1024xf32, #tpu.memory_space<hbm>>
    tpu.enqueue_dma source(%arg11 : memref<8x1024xf32, #tpu.memory_space<vmem>>) target(%dma_start3A_164 : memref<8x1024xf32, #tpu.memory_space<hbm>>) target_semaphore(%arg17 : memref<!tpu.dma_semaphore, #tpu.memory_space<semaphore_mem>>)
    %add3A_165 = arith.constant 16128 : i32
    %add3A_166 = arith.addi %add3A_165, %mul3A_2 : i32
    %add3A_167 = arith.constant 0 : i32
    %add3A_168 = arith.addi %add3A_166, %add3A_167 : i32
    %add3A_169 = arith.constant 768 : i32
    %add3A_170 = arith.addi %add3A_169, %mul3A_2 : i32
    %add3A_171 = arith.constant 0 : i32
    %add3A_172 = arith.addi %add3A_170, %add3A_171 : i32
    %dma_wait3A_173 = arith.constant 0 : i32
    %dma_wait3A_174 = tpu.memref_slice %arg2[%add3A_168, %dma_wait3A_173] : memref<16384x1024xf32, #tpu.memory_space<hbm>> -> memref<8x1024xf32, #tpu.memory_space<hbm>>
    %dma_wait3A_175 = arith.constant 0 : i32
    %dma_wait3A_176 = tpu.memref_slice %arg2[%add3A_168, %dma_wait3A_175] : memref<16384x1024xf32, #tpu.memory_space<hbm>> -> memref<8x1024xf32, #tpu.memory_space<hbm>>
    tpu.wait_dma2 semaphore(%arg16 : memref<!tpu.dma_semaphore, #tpu.memory_space<semaphore_mem>>) src(%dma_wait3A_176 : memref<8x1024xf32, #tpu.memory_space<hbm>>) dst(%arg10 : memref<8x1024xf32, #tpu.memory_space<vmem>>)
    %add3A_177 = arith.constant 7936 : i32
    %add3A_178 = arith.addi %add3A_177, %mul3A_2 : i32
    %add3A_179 = arith.constant 0 : i32
    %add3A_180 = arith.addi %add3A_178, %add3A_179 : i32
    %add3A_181 = arith.constant 256 : i32
    %add3A_182 = arith.addi %add3A_181, %mul3A_2 : i32
    %add3A_183 = arith.constant 0 : i32
    %add3A_184 = arith.addi %add3A_182, %add3A_183 : i32
    %dma_wait3A_185 = arith.constant 0 : i32
    %dma_wait3A_186 = tpu.memref_slice %arg5[%add3A_184, %dma_wait3A_185] : memref<1024x1024xf32, #tpu.memory_space<hbm>> -> memref<8x1024xf32, #tpu.memory_space<hbm>>
    %dma_wait3A_187 = arith.constant 0 : i32
    %dma_wait3A_188 = tpu.memref_slice %arg5[%add3A_184, %dma_wait3A_187] : memref<1024x1024xf32, #tpu.memory_space<hbm>> -> memref<8x1024xf32, #tpu.memory_space<hbm>>
    tpu.wait_dma2 semaphore(%arg18 : memref<!tpu.dma_semaphore, #tpu.memory_space<semaphore_mem>>) src(%arg12 : memref<8x1024xf32, #tpu.memory_space<vmem>>) dst(%dma_wait3A_188 : memref<8x1024xf32, #tpu.memory_space<hbm>>)
    %scan3A_189 = arith.constant 0 : i32
    %scan3A_190 = arith.constant 0 : i32
    %scan3A_191 = arith.constant 512 : i32
    %scan3A_192 = arith.addi %scan3A_190, %scan3A_191 : i32
    %scan3A_193 = arith.constant 8 : i32
    %scan3A_194 = scf.for %scan3A_232 = %scan3A_190 to %scan3A_192 step %scan3A_193 iter_args(%scan3A_233 = %scan3A_189) -> (i32)  : i32 {
      %shift_right_arithmetic3A = arith.constant 6 : i32
      %shift_right_arithmetic3A_234 = arith.shrsi %scan3A_232, %shift_right_arithmetic3A : i32
      %and3A = arith.constant 63 : i32
      %and3A_235 = arith.andi %scan3A_232, %and3A : i32
      %mul3A_236 = arith.constant 16 : i32
      %mul3A_237 = arith.muli %and3A_235, %mul3A_236 : i32
      %get3A = arith.index_cast %shift_right_arithmetic3A_234 : i32 to index
      %get3A_238 = arith.index_cast %mul3A_237 : i32 to index
      %get3A_239 = tpu.vector_load %arg10[%get3A, %get3A_238] {strides = array<i32>} : memref<8x1024xf32, #tpu.memory_space<vmem>>, vector<1x16xf32>,
      %get3A_240 = vector.shape_cast %get3A_239 : vector<1x16xf32> to vector<16xf32>
      %get3A_241 = arith.index_cast %shift_right_arithmetic3A_234 : i32 to index
      %get3A_242 = arith.index_cast %mul3A_237 : i32 to index
      %get3A_243 = tpu.vector_load %arg7[%get3A_241, %get3A_242] {strides = array<i32>} : memref<8x1024xf32, #tpu.memory_space<vmem>>, vector<1x16xf32>,
      %get3A_244 = vector.shape_cast %get3A_243 : vector<1x16xf32> to vector<16xf32>
      %add3A_245 = arith.addf %get3A_240, %get3A_244 : vector<16xf32>
      %swap3A = arith.index_cast %shift_right_arithmetic3A_234 : i32 to index
      %swap3A_246 = arith.index_cast %mul3A_237 : i32 to index
      %swap3A_247 = tpu.vector_load %arg12[%swap3A, %swap3A_246] {strides = array<i32>} : memref<8x1024xf32, #tpu.memory_space<vmem>>, vector<1x16xf32>,
      %swap3A_248 = vector.shape_cast %swap3A_247 : vector<1x16xf32> to vector<16xf32>
      %swap3A_249 = vector.shape_cast %add3A_245 : vector<16xf32> to vector<1x16xf32>
      tpu.vector_store %arg12[%swap3A, %swap3A_246], %swap3A_249 {strides = array<i32>} : memref<8x1024xf32, #tpu.memory_space<vmem>>, vector<1x16xf32>,
      %scan3A_250 = arith.constant 0 : i32
      %scan3A_251 = arith.constant 1 : i32
      %scan3A_252 = arith.addi %scan3A_232, %scan3A_251 : i32
      %shift_right_arithmetic3A_253 = arith.constant 6 : i32
      %shift_right_arithmetic3A_254 = arith.shrsi %scan3A_252, %shift_right_arithmetic3A_253 : i32
      %and3A_255 = arith.constant 63 : i32
      %and3A_256 = arith.andi %scan3A_252, %and3A_255 : i32
      %mul3A_257 = arith.constant 16 : i32
      %mul3A_258 = arith.muli %and3A_256, %mul3A_257 : i32
      %get3A_259 = arith.index_cast %shift_right_arithmetic3A_254 : i32 to index
      %get3A_260 = arith.index_cast %mul3A_258 : i32 to index
      %get3A_261 = tpu.vector_load %arg10[%get3A_259, %get3A_260] {strides = array<i32>} : memref<8x1024xf32, #tpu.memory_space<vmem>>, vector<1x16xf32>,
      %get3A_262 = vector.shape_cast %get3A_261 : vector<1x16xf32> to vector<16xf32>
      %get3A_263 = arith.index_cast %shift_right_arithmetic3A_254 : i32 to index
      %get3A_264 = arith.index_cast %mul3A_258 : i32 to index
      %get3A_265 = tpu.vector_load %arg7[%get3A_263, %get3A_264] {strides = array<i32>} : memref<8x1024xf32, #tpu.memory_space<vmem>>, vector<1x16xf32>,
      %get3A_266 = vector.shape_cast %get3A_265 : vector<1x16xf32> to vector<16xf32>
      %add3A_267 = arith.addf %get3A_262, %get3A_266 : vector<16xf32>
      %swap3A_268 = arith.index_cast %shift_right_arithmetic3A_254 : i32 to index
      %swap3A_269 = arith.index_cast %mul3A_258 : i32 to index
      %swap3A_270 = tpu.vector_load %arg12[%swap3A_268, %swap3A_269] {strides = array<i32>} : memref<8x1024xf32, #tpu.memory_space<vmem>>, vector<1x16xf32>,
      %swap3A_271 = vector.shape_cast %swap3A_270 : vector<1x16xf32> to vector<16xf32>
      %swap3A_272 = vector.shape_cast %add3A_267 : vector<16xf32> to vector<1x16xf32>
      tpu.vector_store %arg12[%swap3A_268, %swap3A_269], %swap3A_272 {strides = array<i32>} : memref<8x1024xf32, #tpu.memory_space<vmem>>, vector<1x16xf32>,
      %scan3A_273 = arith.constant 0 : i32
      %scan3A_274 = arith.constant 2 : i32
      %scan3A_275 = arith.addi %scan3A_232, %scan3A_274 : i32
      %shift_right_arithmetic3A_276 = arith.constant 6 : i32
      %shift_right_arithmetic3A_277 = arith.shrsi %scan3A_275, %shift_right_arithmetic3A_276 : i32
      %and3A_278 = arith.constant 63 : i32
      %and3A_279 = arith.andi %scan3A_275, %and3A_278 : i32
      %mul3A_280 = arith.constant 16 : i32
      %mul3A_281 = arith.muli %and3A_279, %mul3A_280 : i32
      %get3A_282 = arith.index_cast %shift_right_arithmetic3A_277 : i32 to index
      %get3A_283 = arith.index_cast %mul3A_281 : i32 to index
      %get3A_284 = tpu.vector_load %arg10[%get3A_282, %get3A_283] {strides = array<i32>} : memref<8x1024xf32, #tpu.memory_space<vmem>>, vector<1x16xf32>,
      %get3A_285 = vector.shape_cast %get3A_284 : vector<1x16xf32> to vector<16xf32>
      %get3A_286 = arith.index_cast %shift_right_arithmetic3A_277 : i32 to index
      %get3A_287 = arith.index_cast %mul3A_281 : i32 to index
      %get3A_288 = tpu.vector_load %arg7[%get3A_286, %get3A_287] {strides = array<i32>} : memref<8x1024xf32, #tpu.memory_space<vmem>>, vector<1x16xf32>,
      %get3A_289 = vector.shape_cast %get3A_288 : vector<1x16xf32> to vector<16xf32>
      %add3A_290 = arith.addf %get3A_285, %get3A_289 : vector<16xf32>
      %swap3A_291 = arith.index_cast %shift_right_arithmetic3A_277 : i32 to index
      %swap3A_292 = arith.index_cast %mul3A_281 : i32 to index
      %swap3A_293 = tpu.vector_load %arg12[%swap3A_291, %swap3A_292] {strides = array<i32>} : memref<8x1024xf32, #tpu.memory_space<vmem>>, vector<1x16xf32>,
      %swap3A_294 = vector.shape_cast %swap3A_293 : vector<1x16xf32> to vector<16xf32>
      %swap3A_295 = vector.shape_cast %add3A_290 : vector<16xf32> to vector<1x16xf32>
      tpu.vector_store %arg12[%swap3A_291, %swap3A_292], %swap3A_295 {strides = array<i32>} : memref<8x1024xf32, #tpu.memory_space<vmem>>, vector<1x16xf32>,
      %scan3A_296 = arith.constant 0 : i32
      %scan3A_297 = arith.constant 3 : i32
      %scan3A_298 = arith.addi %scan3A_232, %scan3A_297 : i32
      %shift_right_arithmetic3A_299 = arith.constant 6 : i32
      %shift_right_arithmetic3A_300 = arith.shrsi %scan3A_298, %shift_right_arithmetic3A_299 : i32
      %and3A_301 = arith.constant 63 : i32
      %and3A_302 = arith.andi %scan3A_298, %and3A_301 : i32
      %mul3A_303 = arith.constant 16 : i32
      %mul3A_304 = arith.muli %and3A_302, %mul3A_303 : i32
      %get3A_305 = arith.index_cast %shift_right_arithmetic3A_300 : i32 to index
      %get3A_306 = arith.index_cast %mul3A_304 : i32 to index
      %get3A_307 = tpu.vector_load %arg10[%get3A_305, %get3A_306] {strides = array<i32>} : memref<8x1024xf32, #tpu.memory_space<vmem>>, vector<1x16xf32>,
      %get3A_308 = vector.shape_cast %get3A_307 : vector<1x16xf32> to vector<16xf32>
      %get3A_309 = arith.index_cast %shift_right_arithmetic3A_300 : i32 to index
      %get3A_310 = arith.index_cast %mul3A_304 : i32 to index
      %get3A_311 = tpu.vector_load %arg7[%get3A_309, %get3A_310] {strides = array<i32>} : memref<8x1024xf32, #tpu.memory_space<vmem>>, vector<1x16xf32>,
      %get3A_312 = vector.shape_cast %get3A_311 : vector<1x16xf32> to vector<16xf32>
      %add3A_313 = arith.addf %get3A_308, %get3A_312 : vector<16xf32>
      %swap3A_314 = arith.index_cast %shift_right_arithmetic3A_300 : i32 to index
      %swap3A_315 = arith.index_cast %mul3A_304 : i32 to index
      %swap3A_316 = tpu.vector_load %arg12[%swap3A_314, %swap3A_315] {strides = array<i32>} : memref<8x1024xf32, #tpu.memory_space<vmem>>, vector<1x16xf32>,
      %swap3A_317 = vector.shape_cast %swap3A_316 : vector<1x16xf32> to vector<16xf32>
      %swap3A_318 = vector.shape_cast %add3A_313 : vector<16xf32> to vector<1x16xf32>
      tpu.vector_store %arg12[%swap3A_314, %swap3A_315], %swap3A_318 {strides = array<i32>} : memref<8x1024xf32, #tpu.memory_space<vmem>>, vector<1x16xf32>,
      %scan3A_319 = arith.constant 0 : i32
      %scan3A_320 = arith.constant 4 : i32
      %scan3A_321 = arith.addi %scan3A_232, %scan3A_320 : i32
      %shift_right_arithmetic3A_322 = arith.constant 6 : i32
      %shift_right_arithmetic3A_323 = arith.shrsi %scan3A_321, %shift_right_arithmetic3A_322 : i32
      %and3A_324 = arith.constant 63 : i32
      %and3A_325 = arith.andi %scan3A_321, %and3A_324 : i32
      %mul3A_326 = arith.constant 16 : i32
      %mul3A_327 = arith.muli %and3A_325, %mul3A_326 : i32
      %get3A_328 = arith.index_cast %shift_right_arithmetic3A_323 : i32 to index
      %get3A_329 = arith.index_cast %mul3A_327 : i32 to index
      %get3A_330 = tpu.vector_load %arg10[%get3A_328, %get3A_329] {strides = array<i32>} : memref<8x1024xf32, #tpu.memory_space<vmem>>, vector<1x16xf32>,
      %get3A_331 = vector.shape_cast %get3A_330 : vector<1x16xf32> to vector<16xf32>
      %get3A_332 = arith.index_cast %shift_right_arithmetic3A_323 : i32 to index
      %get3A_333 = arith.index_cast %mul3A_327 : i32 to index
      %get3A_334 = tpu.vector_load %arg7[%get3A_332, %get3A_333] {strides = array<i32>} : memref<8x1024xf32, #tpu.memory_space<vmem>>, vector<1x16xf32>,
      %get3A_335 = vector.shape_cast %get3A_334 : vector<1x16xf32> to vector<16xf32>
      %add3A_336 = arith.addf %get3A_331, %get3A_335 : vector<16xf32>
      %swap3A_337 = arith.index_cast %shift_right_arithmetic3A_323 : i32 to index
      %swap3A_338 = arith.index_cast %mul3A_327 : i32 to index
      %swap3A_339 = tpu.vector_load %arg12[%swap3A_337, %swap3A_338] {strides = array<i32>} : memref<8x1024xf32, #tpu.memory_space<vmem>>, vector<1x16xf32>,
      %swap3A_340 = vector.shape_cast %swap3A_339 : vector<1x16xf32> to vector<16xf32>
      %swap3A_341 = vector.shape_cast %add3A_336 : vector<16xf32> to vector<1x16xf32>
      tpu.vector_store %arg12[%swap3A_337, %swap3A_338], %swap3A_341 {strides = array<i32>} : memref<8x1024xf32, #tpu.memory_space<vmem>>, vector<1x16xf32>,
      %scan3A_342 = arith.constant 0 : i32
      %scan3A_343 = arith.constant 5 : i32
      %scan3A_344 = arith.addi %scan3A_232, %scan3A_343 : i32
      %shift_right_arithmetic3A_345 = arith.constant 6 : i32
      %shift_right_arithmetic3A_346 = arith.shrsi %scan3A_344, %shift_right_arithmetic3A_345 : i32
      %and3A_347 = arith.constant 63 : i32
      %and3A_348 = arith.andi %scan3A_344, %and3A_347 : i32
      %mul3A_349 = arith.constant 16 : i32
      %mul3A_350 = arith.muli %and3A_348, %mul3A_349 : i32
      %get3A_351 = arith.index_cast %shift_right_arithmetic3A_346 : i32 to index
      %get3A_352 = arith.index_cast %mul3A_350 : i32 to index
      %get3A_353 = tpu.vector_load %arg10[%get3A_351, %get3A_352] {strides = array<i32>} : memref<8x1024xf32, #tpu.memory_space<vmem>>, vector<1x16xf32>,
      %get3A_354 = vector.shape_cast %get3A_353 : vector<1x16xf32> to vector<16xf32>
      %get3A_355 = arith.index_cast %shift_right_arithmetic3A_346 : i32 to index
      %get3A_356 = arith.index_cast %mul3A_350 : i32 to index
      %get3A_357 = tpu.vector_load %arg7[%get3A_355, %get3A_356] {strides = array<i32>} : memref<8x1024xf32, #tpu.memory_space<vmem>>, vector<1x16xf32>,
      %get3A_358 = vector.shape_cast %get3A_357 : vector<1x16xf32> to vector<16xf32>
      %add3A_359 = arith.addf %get3A_354, %get3A_358 : vector<16xf32>
      %swap3A_360 = arith.index_cast %shift_right_arithmetic3A_346 : i32 to index
      %swap3A_361 = arith.index_cast %mul3A_350 : i32 to index
      %swap3A_362 = tpu.vector_load %arg12[%swap3A_360, %swap3A_361] {strides = array<i32>} : memref<8x1024xf32, #tpu.memory_space<vmem>>, vector<1x16xf32>,
      %swap3A_363 = vector.shape_cast %swap3A_362 : vector<1x16xf32> to vector<16xf32>
      %swap3A_364 = vector.shape_cast %add3A_359 : vector<16xf32> to vector<1x16xf32>
      tpu.vector_store %arg12[%swap3A_360, %swap3A_361], %swap3A_364 {strides = array<i32>} : memref<8x1024xf32, #tpu.memory_space<vmem>>, vector<1x16xf32>,
      %scan3A_365 = arith.constant 0 : i32
      %scan3A_366 = arith.constant 6 : i32
      %scan3A_367 = arith.addi %scan3A_232, %scan3A_366 : i32
      %shift_right_arithmetic3A_368 = arith.constant 6 : i32
      %shift_right_arithmetic3A_369 = arith.shrsi %scan3A_367, %shift_right_arithmetic3A_368 : i32
      %and3A_370 = arith.constant 63 : i32
      %and3A_371 = arith.andi %scan3A_367, %and3A_370 : i32
      %mul3A_372 = arith.constant 16 : i32
      %mul3A_373 = arith.muli %and3A_371, %mul3A_372 : i32
      %get3A_374 = arith.index_cast %shift_right_arithmetic3A_369 : i32 to index
      %get3A_375 = arith.index_cast %mul3A_373 : i32 to index
      %get3A_376 = tpu.vector_load %arg10[%get3A_374, %get3A_375] {strides = array<i32>} : memref<8x1024xf32, #tpu.memory_space<vmem>>, vector<1x16xf32>,
      %get3A_377 = vector.shape_cast %get3A_376 : vector<1x16xf32> to vector<16xf32>
      %get3A_378 = arith.index_cast %shift_right_arithmetic3A_369 : i32 to index
      %get3A_379 = arith.index_cast %mul3A_373 : i32 to index
      %get3A_380 = tpu.vector_load %arg7[%get3A_378, %get3A_379] {strides = array<i32>} : memref<8x1024xf32, #tpu.memory_space<vmem>>, vector<1x16xf32>,
      %get3A_381 = vector.shape_cast %get3A_380 : vector<1x16xf32> to vector<16xf32>
      %add3A_382 = arith.addf %get3A_377, %get3A_381 : vector<16xf32>
      %swap3A_383 = arith.index_cast %shift_right_arithmetic3A_369 : i32 to index
      %swap3A_384 = arith.index_cast %mul3A_373 : i32 to index
      %swap3A_385 = tpu.vector_load %arg12[%swap3A_383, %swap3A_384] {strides = array<i32>} : memref<8x1024xf32, #tpu.memory_space<vmem>>, vector<1x16xf32>,
      %swap3A_386 = vector.shape_cast %swap3A_385 : vector<1x16xf32> to vector<16xf32>
      %swap3A_387 = vector.shape_cast %add3A_382 : vector<16xf32> to vector<1x16xf32>
      tpu.vector_store %arg12[%swap3A_383, %swap3A_384], %swap3A_387 {strides = array<i32>} : memref<8x1024xf32, #tpu.memory_space<vmem>>, vector<1x16xf32>,
      %scan3A_388 = arith.constant 0 : i32
      %scan3A_389 = arith.constant 7 : i32
      %scan3A_390 = arith.addi %scan3A_232, %scan3A_389 : i32
      %shift_right_arithmetic3A_391 = arith.constant 6 : i32
      %shift_right_arithmetic3A_392 = arith.shrsi %scan3A_390, %shift_right_arithmetic3A_391 : i32
      %and3A_393 = arith.constant 63 : i32
      %and3A_394 = arith.andi %scan3A_390, %and3A_393 : i32
      %mul3A_395 = arith.constant 16 : i32
      %mul3A_396 = arith.muli %and3A_394, %mul3A_395 : i32
      %get3A_397 = arith.index_cast %shift_right_arithmetic3A_392 : i32 to index
      %get3A_398 = arith.index_cast %mul3A_396 : i32 to index
      %get3A_399 = tpu.vector_load %arg10[%get3A_397, %get3A_398] {strides = array<i32>} : memref<8x1024xf32, #tpu.memory_space<vmem>>, vector<1x16xf32>,
      %get3A_400 = vector.shape_cast %get3A_399 : vector<1x16xf32> to vector<16xf32>
      %get3A_401 = arith.index_cast %shift_right_arithmetic3A_392 : i32 to index
      %get3A_402 = arith.index_cast %mul3A_396 : i32 to index
      %get3A_403 = tpu.vector_load %arg7[%get3A_401, %get3A_402] {strides = array<i32>} : memref<8x1024xf32, #tpu.memory_space<vmem>>, vector<1x16xf32>,
      %get3A_404 = vector.shape_cast %get3A_403 : vector<1x16xf32> to vector<16xf32>
      %add3A_405 = arith.addf %get3A_400, %get3A_404 : vector<16xf32>
      %swap3A_406 = arith.index_cast %shift_right_arithmetic3A_392 : i32 to index
      %swap3A_407 = arith.index_cast %mul3A_396 : i32 to index
      %swap3A_408 = tpu.vector_load %arg12[%swap3A_406, %swap3A_407] {strides = array<i32>} : memref<8x1024xf32, #tpu.memory_space<vmem>>, vector<1x16xf32>,
      %swap3A_409 = vector.shape_cast %swap3A_408 : vector<1x16xf32> to vector<16xf32>
      %swap3A_410 = vector.shape_cast %add3A_405 : vector<16xf32> to vector<1x16xf32>
      tpu.vector_store %arg12[%swap3A_406, %swap3A_407], %swap3A_410 {strides = array<i32>} : memref<8x1024xf32, #tpu.memory_space<vmem>>, vector<1x16xf32>,
      %scan3A_411 = arith.constant 0 : i32
      scf.yield %scan3A_411 : i32
    }
    %scan3A_195 = arith.constant 512 : i32
    %add3A_196 = arith.constant 16128 : i32
    %add3A_197 = arith.addi %add3A_196, %mul3A_2 : i32
    %add3A_198 = arith.constant 0 : i32
    %add3A_199 = arith.addi %add3A_197, %add3A_198 : i32
    %add3A_200 = arith.constant 768 : i32
    %add3A_201 = arith.addi %add3A_200, %mul3A_2 : i32
    %add3A_202 = arith.constant 0 : i32
    %add3A_203 = arith.addi %add3A_201, %add3A_202 : i32
    %dma_start3A_204 = arith.constant 0 : i32
    %dma_start3A_205 = tpu.memref_slice %arg5[%add3A_203, %dma_start3A_204] : memref<1024x1024xf32, #tpu.memory_space<hbm>> -> memref<8x1024xf32, #tpu.memory_space<hbm>>
    %dma_start3A_206 = arith.constant 0 : i32
    %dma_start3A_207 = tpu.memref_slice %arg5[%add3A_203, %dma_start3A_206] : memref<1024x1024xf32, #tpu.memory_space<hbm>> -> memref<8x1024xf32, #tpu.memory_space<hbm>>
    tpu.enqueue_dma source(%arg12 : memref<8x1024xf32, #tpu.memory_space<vmem>>) target(%dma_start3A_207 : memref<8x1024xf32, #tpu.memory_space<hbm>>) target_semaphore(%arg18 : memref<!tpu.dma_semaphore, #tpu.memory_space<semaphore_mem>>)
    %add3A_208 = arith.constant 12032 : i32
    %add3A_209 = arith.addi %add3A_208, %mul3A_2 : i32
    %add3A_210 = arith.constant 0 : i32
    %add3A_211 = arith.addi %add3A_209, %add3A_210 : i32
    %add3A_212 = arith.constant 512 : i32
    %add3A_213 = arith.addi %add3A_212, %mul3A_2 : i32
    %add3A_214 = arith.constant 0 : i32
    %add3A_215 = arith.addi %add3A_213, %add3A_214 : i32
    %dma_wait3A_216 = arith.constant 0 : i32
    %dma_wait3A_217 = tpu.memref_slice %arg5[%add3A_215, %dma_wait3A_216] : memref<1024x1024xf32, #tpu.memory_space<hbm>> -> memref<8x1024xf32, #tpu.memory_space<hbm>>
    %dma_wait3A_218 = arith.constant 0 : i32
    %dma_wait3A_219 = tpu.memref_slice %arg5[%add3A_215, %dma_wait3A_218] : memref<1024x1024xf32, #tpu.memory_space<hbm>> -> memref<8x1024xf32, #tpu.memory_space<hbm>>
    tpu.wait_dma2 semaphore(%arg17 : memref<!tpu.dma_semaphore, #tpu.memory_space<semaphore_mem>>) src(%arg11 : memref<8x1024xf32, #tpu.memory_space<vmem>>) dst(%dma_wait3A_219 : memref<8x1024xf32, #tpu.memory_space<hbm>>)
    %add3A_220 = arith.constant 16128 : i32
    %add3A_221 = arith.addi %add3A_220, %mul3A_2 : i32
    %add3A_222 = arith.constant 0 : i32
    %add3A_223 = arith.addi %add3A_221, %add3A_222 : i32
    %add3A_224 = arith.constant 768 : i32
    %add3A_225 = arith.addi %add3A_224, %mul3A_2 : i32
    %add3A_226 = arith.constant 0 : i32
    %add3A_227 = arith.addi %add3A_225, %add3A_226 : i32
    %dma_wait3A_228 = arith.constant 0 : i32
    %dma_wait3A_229 = tpu.memref_slice %arg5[%add3A_227, %dma_wait3A_228] : memref<1024x1024xf32, #tpu.memory_space<hbm>> -> memref<8x1024xf32, #tpu.memory_space<hbm>>
    %dma_wait3A_230 = arith.constant 0 : i32
    %dma_wait3A_231 = tpu.memref_slice %arg5[%add3A_227, %dma_wait3A_230] : memref<1024x1024xf32, #tpu.memory_space<hbm>> -> memref<8x1024xf32, #tpu.memory_space<hbm>>
    tpu.wait_dma2 semaphore(%arg18 : memref<!tpu.dma_semaphore, #tpu.memory_space<semaphore_mem>>) src(%arg12 : memref<8x1024xf32, #tpu.memory_space<vmem>>) dst(%dma_wait3A_231 : memref<8x1024xf32, #tpu.memory_space<hbm>>)
    return
  }
}

module attributes {stable_mosaic.version = 14 : i64} {
  func.func @_tc_body(%arg0: i32, %arg1: i32, %arg2: memref<768x1xi32, #tpu.memory_space<vmem>>, %arg3: memref<5x1024xf32, #tpu.memory_space<vmem>>, %arg4: memref<1x768x1024xf32, #tpu.memory_space<vmem>>, %arg5: memref<1x768x1024xf32, #tpu.memory_space<vmem>>) attributes {dimension_semantics = [#tpu.dimension_semantics<arbitrary>, #tpu.dimension_semantics<arbitrary>], iteration_bounds = array<i64: 5, 4>, scalar_prefetch = 0 : i64, scratch_operands = 0 : i64, tpu.core_type = #tpu.core_type<tc>, window_params = [{transform_indices = @transform_0, window_bounds = array<i64: 768, 1>}, {pipeline_mode = #tpu.pipeline_mode<synchronous>, transform_indices = @transform_1, window_bounds = array<i64: 5, 1024>}, {transform_indices = @transform_2, window_bounds = array<i64: 1, 768, 1024>}, {transform_indices = @transform_3, window_bounds = array<i64: 1, 768, 1024>}]} {
    %iota3A = tpu.iota {dimensions = array<i32: 1>} : vector<768x5xi32>
    %get3A = arith.constant 0 : index
    %get3A_0 = arith.constant 0 : index
    %get3A_1 = vector.load %arg2[%get3A, %get3A_0] : memref<768x1xi32, #tpu.memory_space<vmem>>, vector<768x1xi32>
    %eq3A = vector.broadcast %get3A_1 : vector<768x1xi32> to vector<768x5xi32>
    %eq3A_2 = arith.cmpi eq, %iota3A, %eq3A : vector<768x5xi32>
    %convert_element_type3A = arith.extui %eq3A_2 : vector<768x5xi1> to vector<768x5xi32>
    %convert_element_type3A_3 = arith.sitofp %convert_element_type3A : vector<768x5xi32> to vector<768x5xf32>
    %get3A_4 = arith.constant 0 : index
    %get3A_5 = arith.constant 0 : index
    %get3A_6 = vector.load %arg3[%get3A_4, %get3A_5] : memref<5x1024xf32, #tpu.memory_space<vmem>>, vector<5x1024xf32>
    %dot_general3A = arith.constant dense<0.000000e+00> : vector<768x1024xf32>
    %dot_general3A_7 = tpu.matmul %convert_element_type3A_3, %get3A_6, %dot_general3A {dimension_numbers = #tpu.dot_dimension_numbers<[1], [0], [0], [1], [0, 0, 1, 1], [], []>, transpose_lhs_hint = false} : vector<768x5xf32>, vector<5x1024xf32>, vector<768x1024xf32> -> vector<768x1024xf32>
    %get3A_8 = arith.constant 0 : index
    %get3A_9 = arith.constant 0 : index
    %get3A_10 = arith.constant 0 : index
    %get3A_11 = vector.load %arg4[%get3A_8, %get3A_9, %get3A_10] : memref<1x768x1024xf32, #tpu.memory_space<vmem>>, vector<1x768x1024xf32>
    %get3A_12 = vector.shape_cast %get3A_11 : vector<1x768x1024xf32> to vector<768x1024xf32>
    %add3A = arith.addf %get3A_12, %dot_general3A_7 : vector<768x1024xf32>
    %swap3A = arith.constant 0 : index
    %swap3A_13 = arith.constant 0 : index
    %swap3A_14 = arith.constant 0 : index
    %swap3A_15 = vector.load %arg5[%swap3A, %swap3A_13, %swap3A_14] : memref<1x768x1024xf32, #tpu.memory_space<vmem>>, vector<1x768x1024xf32>
    %swap3A_16 = vector.shape_cast %swap3A_15 : vector<1x768x1024xf32> to vector<768x1024xf32>
    %swap3A_17 = vector.shape_cast %add3A : vector<768x1024xf32> to vector<1x768x1024xf32>
    tpu.vector_store %arg5[%swap3A, %swap3A_13, %swap3A_14], %swap3A_17 {strides = array<i32>} : memref<1x768x1024xf32, #tpu.memory_space<vmem>>, vector<1x768x1024xf32>,
    return
  }
  func.func @transform_0(%arg0: i32, %arg1: i32) -> (i32, i32) {
    %c0_i32 = arith.constant 0 : i32
    %c0_i32_0 = arith.constant 0 : i32
    return %arg0, %c0_i32 : i32, i32
  }
  func.func @transform_1(%arg0: i32, %arg1: i32) -> (i32, i32) {
    %c0_i32 = arith.constant 0 : i32
    %c0_i32_0 = arith.constant 0 : i32
    %c0_i32_1 = arith.constant 0 : i32
    return %c0_i32, %c0_i32_0 : i32, i32
  }
  func.func @transform_2(%arg0: i32, %arg1: i32) -> (i32, i32, i32) {
    %c0_i32 = arith.constant 0 : i32
    %c0_i32_0 = arith.constant 0 : i32
    return %arg1, %arg0, %c0_i32 : i32, i32, i32
  }
  func.func @transform_3(%arg0: i32, %arg1: i32) -> (i32, i32, i32) {
    %c0_i32 = arith.constant 0 : i32
    %c0_i32_0 = arith.constant 0 : i32
    return %arg1, %arg0, %c0_i32 : i32, i32, i32
  }
}

</mosaic_0001>

<sc_bundles>
// kernel: kernel.4.cloned.1.call-start
scs
__scs_entry_jumppad:
0x0: {  	(pc) =	sbr.rel $0x88, $3  }
0x1: {  	(tag) =	ssettag $0x0;
	lr =	simm.s32 $0x1  }
0x2: {  	[smem:$0x3F9E] =	sst lr;
	_ =	strace $0xD0000000  }
0x3: {  	_ = 	snop  }
0x4: {  	_ = 	snop  }
0x5: {  	_ = 	snop  }
0x6: {  	_ = 	snop  }
0x7: {  	_ = 	snop  }
__scs_overlays_trampoline_lowered:
0x8: {  	[smem:$0x3FAD] =	sst s0  }
0x9: {  	[smem:$0x3FAE] =	sst s1  }
0xa: {  	[smem:$0x3FAF] =	sst s2  }
0xb: {  	[smem:$0x3FB0] =	sst s3  }
0xc: {  	[smem:$0x3FB1] =	sst s4  }
0xd: {  	[smem:$0x3FB2] =	sst s5  }
0xe: {  	[smem:$0x3FB3] =	sst s6  }
0xf: {  	[smem:$0x3FB4] =	sst s7  }
0x10: {  	[smem:$0x3FB5] =	sst s8  }
0x11: {  	[smem:$0x3FB6] =	sst s9;
	s0 =	simm.s32 @!p0 $0x0  }
0x12: {  	s1 =	sld [smem:$0x3F9C];
	s0 =	simm.s32 @p0 $0x1  }
0x13: {  	[smem:$0x3FB7] =	sst s0;
	s0 =	simm.s32 @!p1 $0x0  }
0x14: {  	s2 =	sld [smem:$0x3F9B];
	s0 =	simm.s32 @p1 $0x1  }
0x15: {  	[smem:$0x3FB8] =	sst s0;
	s0 =	simm.s32 @!p2 $0x0  }
0x16: {  	s3 =	sld [smem:$0x3FDB];
	s0 =	simm.s32 @p2 $0x1  }
0x17: {  	s4 =	simm.s32 $0x1BF5;
	[smem:$0x3FBA] =	sst s0  }
0x18: {  	s0 =	sld [smem:$0x3F9D];
	_ =	swait.ge [sflag:s4], $0x0  }
0x19: {  	s7 =	sld [smem:$0x3F9E]  }
0x1a: {  	s8 =	sadd.s32 $0xFFFFE003, lr  }
0x1b: {  	s9 =	sadd.s32 $0xFFFFFEF7, lr;
	s5 =	simm.s32 $0xFFFFFFFF;
	p2 =	slt.u32 s8, $0xFFFFF086  }
0x1c: {  	p1 =	slt.u32 s9, $0xF7A;
	s5 =	simm.s32 @!p2 $0x0  }
0x1d: {  	s5 =	simm.s32 @p1 $0x1;
	p0 =	seq.s32 s7, s2  }
0x1e: {  	s7 =	smul.u32 @!p0 $0xF7A, s2;
	p2 =	seq.s32 @!p0 s5, $0x0  }
0x1f: {  	s9 =	smul.u32 $0xF7A, s1;
	s8 =	simm.s32 @!p0 $0x1BF5;
	p2 =	por !p2, p0  }
0x20: {  	[sflag:s8] =	ssyncset.s32 @!p0 $0xFFFFF086;
	s6 =	sadd.s32 @!p0 s3, s7;
	s7 =	simm.s32 @!p0 $0x108  }
0x21: {  	s3 =	sadd.s32 s3, s9;
	s6 =	sadd.s32 @!p0 $0x88, s6;
	s7 =	simm.s32 @p2 $0x1082  }
0x22: {  	[simem:s7], [sflag:s8] =	dma.local @!p0 [hbm:s6], $0xF7A  }
0x23: {  	s9 =	sor.u32 $0xD0000000, s2;
	s6 =	simm.s32 $0x108;
	_ =	swait.ge @!p0 [sflag:s8], $0x0  }
0x24: {  	s3 =	sadd.s32 $0x88, s3;
	s6 =	simm.s32 @!p1 $0x1082;
	[sflag:s4] =	ssyncset.s32 $0xFFFFF086  }
0x25: {  	[simem:s6], [sflag:s4] =	dma.local [hbm:s3], $0xF7A  }
0x26: {  	[smem:$0x3F9E] =	sst s1;
	(tag) =	ssettag s2;
	_ =	strace s9  }
0x27: {  	s1 =	sld [smem:$0x3FAE]  }
0x28: {  	s2 =	sld [smem:$0x3FAF]  }
0x29: {  	s4 =	sld [smem:$0x3FB1]  }
0x2a: {  	p0 =	seq.s32 s5, $0x0;
	s5 =	sld [smem:$0x3FB2]  }
0x2b: {  	s6 =	sld [smem:$0x3FB3]  }
0x2c: {  	s7 =	sld [smem:$0x3FB4]  }
0x2d: {  	s3 =	simm.s32 $0x108;
	s8 =	sld [smem:$0x3FB5]  }
0x2e: {  	s3 =	simm.s32 @!p0 $0x1082;
	s9 =	sld [smem:$0x3FB6]  }
0x2f: {  	lr =	sadd.s32 s0, s3;
	s0 =	sld [smem:$0x3FAD]  }
0x30: {  	s3 =	sld [smem:$0x3FB0]  }
0x31: {  	[smem:$0x3FB9] =	sst s10  }
0x32: {  	s10 =	sld [smem:$0x3FB7];
	_ =	sdelay $0x3  }
0x33: {  	p0 =	seq.s32 s10, $0x1;
	s10 =	sld [smem:$0x3FB9];
	_ =	sdelay $0x3  }
0x34: {  	[smem:$0x3FB9] =	sst s10  }
0x35: {  	s10 =	sld [smem:$0x3FB8];
	_ =	sdelay $0x3  }
0x36: {  	p1 =	seq.s32 s10, $0x1;
	s10 =	sld [smem:$0x3FB9];
	_ =	sdelay $0x3  }
0x37: {  	[smem:$0x3FB9] =	sst s10  }
0x38: {  	s10 =	sld [smem:$0x3FBA]  }
0x39: {  	_ = 	snop;
	(pc) =	sbr.ind lr, $3  }
0x3a: {  	_ = 	snop  }
0x3b: {  	_ = 	snop  }
0x3c: {  	p2 =	seq.s32 s10, $0x1;
	s10 =	sld [smem:$0x3FB9]  }
0x3d: {  	_ =	shalt  }
0x3e: {  	_ =	shalt  }
0x3f: {  	_ =	shalt  }
0x40: {  	_ =	shalt  }
0x41: {  	_ =	shalt  }
0x42: {  	_ =	shalt  }
0x43: {  	_ =	shalt  }
0x44: {  	_ =	shalt  }
0x45: {  	_ =	shalt  }
0x46: {  	_ =	shalt  }
0x47: {  	_ =	shalt  }
0x48: {  	_ =	shalt  }
0x49: {  	_ =	shalt  }
0x4a: {  	_ =	shalt  }
0x4b: {  	_ =	shalt  }
0x4c: {  	_ =	shalt  }
0x4d: {  	_ =	shalt  }
0x4e: {  	_ =	shalt  }
0x4f: {  	_ =	shalt  }
0x50: {  	_ =	shalt  }
0x51: {  	_ =	shalt  }
0x52: {  	_ =	shalt  }
0x53: {  	_ =	shalt  }
0x54: {  	_ =	shalt  }
0x55: {  	_ =	shalt  }
0x56: {  	_ =	shalt  }
0x57: {  	_ =	shalt  }
0x58: {  	_ =	shalt  }
0x59: {  	_ =	shalt  }
0x5a: {  	_ =	shalt  }
0x5b: {  	_ =	shalt  }
0x5c: {  	_ =	shalt  }
0x5d: {  	_ =	shalt  }
0x5e: {  	_ =	shalt  }
0x5f: {  	_ =	shalt  }
0x60: {  	_ =	shalt  }
0x61: {  	_ =	shalt  }
0x62: {  	_ =	shalt  }
0x63: {  	_ =	shalt  }
0x64: {  	_ =	shalt  }
0x65: {  	_ =	shalt  }
0x66: {  	_ =	shalt  }
0x67: {  	_ =	shalt  }
0x68: {  	_ =	shalt  }
0x69: {  	_ =	shalt  }
0x6a: {  	_ =	shalt  }
0x6b: {  	_ =	shalt  }
0x6c: {  	_ =	shalt  }
0x6d: {  	_ =	shalt  }
0x6e: {  	_ =	shalt  }
0x6f: {  	_ =	shalt  }
0x70: {  	_ =	shalt  }
0x71: {  	_ =	shalt  }
0x72: {  	_ =	shalt  }
0x73: {  	_ =	shalt  }
0x74: {  	_ =	shalt  }
0x75: {  	_ =	shalt  }
0x76: {  	_ =	shalt  }
0x77: {  	_ =	shalt  }
0x78: {  	_ =	shalt  }
0x79: {  	_ =	shalt  }
0x7a: {  	_ =	shalt  }
0x7b: {  	_ =	shalt  }
0x7c: {  	_ =	shalt  }
0x7d: {  	_ =	shalt  }
0x7e: {  	_ =	shalt  }
0x7f: {  	_ =	shalt  }
0x80: {  	_ =	shalt  }
0x81: {  	_ =	shalt  }
0x82: {  	_ =	shalt  }
0x83: {  	_ =	shalt  }
0x84: {  	_ =	shalt  }
0x85: {  	_ =	shalt  }
0x86: {  	_ =	shalt  }
0x87: {  	_ =	shalt  }
.Lfunc_end0:
.L_simem_size_0:
called_computation_lowered:
.L_overlay_start_0:
0x88: {  	s2 =	sld [smem:$0x3FD9]  }
0x89: {  	s3 =	sld [smem:$0x3FFE];
	_ =	sdelay $0x1  }
0x8a: {  	s1 =	srdreg.scid  }
0x8b: {  	s0 =	sand.u32 $0x1, s1  }
0x8c: {  	s17 =	sshll.u32 s0, $0xA;
	s2 =	sadd.s32 s3, s2  }
0x8d: {  	s2 =	sadd.s32 s2, s17  }
0x8e: {  	[smem:$0x3FC5] =	sst s2  }
0x8f: {  	_ = 	snop  }
0x90: {  	s2 =	sld [smem:$0x3FC9]  }
0x91: {  	s18 =	sld [smem:$0x3FC8]  }
0x92: {  	s4 =	sld [smem:$0x3FC7];
	(tm) =	ssettm $0x1  }
0x93: {  	s5 =	sld [smem:$0x3FFB];
	_ =	sdelay $0x3  }
0x94: {  	_ =	strace s5  }
0x95: {  	s5 =	sld [smem:$0x3FFC];
	_ =	sdelay $0x3  }
0x96: {  	_ =	strace s5  }
0x97: {  	s5 =	sld [smem:$0x3FFD];
	_ =	sdelay $0x3  }
0x98: {  	_ =	strace s5  }
0x99: {  	_ =	strace $0x8FFFFFFF  }
0x9a: {  	s19 =	sld [smem:$0x3FDB];
	_ =	sdelay $0x1  }
0x9b: {  	s6 =	simm.s32 $_scs_section_size  }
0x9c: {  	s7 =	simm.s32 $_size__tile_overlayer_lowered;
	s8 =	simm.s32 $_tile_overlayer_lowered  }
0x9d: {  	s22 =	simm.s32 $0x1BFF;
	s21 =	sshll.u32 s8, $0x1;
	s5 =	sadd.s32 s6, s19  }
0x9e: {  	s9 =	simm.s32 $0x0;
	s20 =	sshll.u32 s7, $0x1;
	s7 =	sadd.s32 s21, s5  }
0x9f: {  	[timem:s9], [sflag:s22] =	dma.local [hbm:s7], s20  }
0xa0: {  	_ =	swait.ge [sflag:s22], s20  }
0xa1: {  	s6 =	ssub.s32 $0x0, s20;
	[sflag:s22] =	ssyncset.done $0x0  }
0xa2: {  	[sflag:s22] =	ssyncadd.s32 s6;
	_ =	sdelay $0x1  }
0xa3: {  	s23 =	simm.s32 $0x1B8B  }
0xa4: {  	_ =	swait.ge [sflag:s23], $0x1  }
0xa5: {  	[sflag:s23] =	ssyncset.done $0x0  }
0xa6: {  	s25 =	simm.s32 $0x1B8E;
	s24 =	sld [smem:$0x3FFE];
	[sflag:s23] =	ssyncadd.s32 $0xFFFFFFFF  }
0xa7: {  	s26 =	simm.s32 $execute0_lowered;
	[smem:$0x3FD2] =	sst s25  }
0xa8: {  	s7 =	sshll.u32 s26, $0x1;
	_ =	strace $0x80000046;
	[dreg:$0x1] =	wrdreg $0xFFFFFFFF  }
0xa9: {  	s28 =	simm.s32 $_size_execute0_lowered;
	s5 =	sadd.s32 s5, s7;
	[dreg:$0x0] =	wrdreg $0x0  }
0xaa: {  	s7 =	sshll.u32 s28, $0x1;
	[dreg:$0x2] =	wrdreg s5  }
0xab: {  	[dreg:$0x3] =	wrdreg s7  }
0xac: {  	[dreg:$0x4] =	wrdreg $0xC0  }
0xad: {  	_ =	task [dreg:s9], $0x5FFFF  }
0xae: {  	[dreg:$0x1] =	wrdreg $0xFFFFFFFF  }
0xaf: {  	[dreg:$0x0] =	wrdreg $0x60  }
0xb0: {  	[dreg:$0x2] =	wrdreg s2  }
0xb1: {  	[dreg:$0x3] =	wrdreg s18  }
0xb2: {  	[dreg:$0x4] =	wrdreg s4  }
0xb3: {  	[dreg:$0x5] =	wrdreg s24  }
0xb4: {  	[dreg:$0x6] =	wrdreg $0x9  }
0xb5: {  	_ =	task.clear_ibuf [dreg:s9], $0x7FFFF;
	_ =	strace $0x90000046  }
0xb6: {  	s29 =	simm.s32 $0x9;
	_ =	strace $0x80000048  }
0xb7: {  	_ =	swait.ge [sflag:s29], $0x1  }
0xb8: {  	[sflag:s29] =	ssyncadd.s32 $0xFFFFFFFF  }
0xb9: {  	_ =	strace $0x90000048  }
0xba: {  	_ =	sfence  }
0xbb: {  	s30 =	sld [smem:$0x0];
	_ =	sdelay $0x2  }
0xbc: {  	s31 =	sshll.u32 s1, $0xD;
	s1 =	sshrl.u32 s1, $0x2  }
0xbd: {  	s3 =	sand.u32 $0x4000, s31;
	s1 =	sadd.s32 s1, s30  }
0xbe: {  	s0 =	sor.u32 s3, s0;
	s1 =	sshll.u32 s1, $0x11  }
0xbf: {  	s0 =	sor.u32 s1, s0  }
0xc0: {  	s0 =	sadd.s32 $0x8F2B, s0  }
0xc1: {  	[sflag:s0] =	ssyncadd.remote.s32 $0x1  }
0xc2: {  	_ =	sfence.sel $0xFFFF  }
0xc3: {  	[dreg:$0x0] =	wrdreg $0xFFFFFFFF;
	(pc) =	sbr.abs _section_cstart, $3  }
0xc4: {  	[dreg:$0x1] =	wrdreg $0xFFFFFFFF  }
0xc5: {  	_ =	task.clear_ibuf [dreg:s9], $0x2FFFF;
	_ =	strace $0x9FFFFFFF  }
0xc6: {  	(tm) =	ssettm $0x7FFFFFFF  }
0xc7: {  	_ =	shalt  }
tec
execute0_lowered:
.L_overlay_start_1:
0x0: {  	(tag) =	ssettag $0x1  }
0x1: {  	s0 =	rddreg [dreg:$0x0]  }
0x2: {  	s2 =	rddreg [dreg:$0x1]  }
0x3: {  	s1 =	rddreg [dreg:$0x2]  }
0x4: {  	s4 =	rddreg [dreg:$0x3];
	s5 =	srdreg.scid;
	s3 =	simm.s32 $0x0  }
0x5: {  	s6 =	stileid.u32;
	s17 =	simm.s32 $0x6;
	s22 =	simm.s32 $0x2080  }
0x6: {  	s28 =	simm.s32 $0x3;
	s29 =	simm.s32 $0x8080;
	s30 =	simm.s32 $0x4  }
0x7: {  	s31 =	simm.s32 $0x5;
	s5 =	sand.u32 $0x1, s5;
	[smem:$0x7FF] =	sst s3  }
0x8: {  	s6 =	sshll.u32 s6, $0x4;
	s25 =	sadd.s32 $0x100, s1;
	s7 =	sshll.u32 s5, $0x3  }
0x9: {  	_ =	strace $0x80000047;
	s5 =	ssub.s32 $0x2, s5;
	[dreg:$0x6] =	wrdreg s25  }
0xa: {  	s25 =	simm.s32 $0x2;
	s6 =	sor.u32 s7, s6;
	s23 =	sshrl.u32 s5, $0x1  }
0xb: {  	s7 =	sadd.s32 $0x300, s1;
	s8 =	sshll.u32 s6, $0x7;
	s9 =	sor.u32 $0xF00, s6  }
0xc: {  	s16 =	ssub.s32 s5, s23;
	s6 =	sadd.s32 $0x200, s1;
	s23 =	simm.s32 $0x4080  }
0xd: {  	s15 =	sadd.s32 s8, s4;
	s24 =	sshrl.u32 s9, $0x3;
	s26 =	sshll.u32 s9, $0x7  }
0xe: {  	s12 =	sadd.s32 s8, s0;
	s16 =	smax.u32 s16, $0x1;
	s2 =	sadd.s32 s2, s24  }
0xf: {  	s8 =	sadd.s32 s0, s26;
	s9 =	sadd.s32 $0xF8000, s12;
	s10 =	sadd.s32 $0x178000, s12  }
0x10: {  	v0 =	vlaneseq.u32;
	s11 =	sadd.s32 $0x800, s15;
	s12 =	sadd.s32 $0x1F8000, s12;
	s13 =	sadd.s32 $0x8800, s15  }
0x11: {  	v1 =	vshrl.u32 v0, $0x3;
	s14 =	sadd.s32 $0x10800, s15;
	s15 =	sadd.s32 $0x18800, s15;
	s24 =	simm.s32 $0x1  }
0x12: {  	vm0 =	vmmov $0xffff;
	v0 =	vand.u32 $0x7, v0;
	v1 =	vmul.u32 $0x8, v1;
	s26 =	simm.s32 $0x6080;
	s0 =	simm.s32 $0x0;
	[dreg:$0x5] =	wrdreg s2  }
.LBB2_1:
0x13: {  	s1 =	rddreg [dreg:$0x5]  }
0x14: {  	[tilespmem:s3], [sflag:$0x6] =	stream.linear.gather [hbm4b:s1+s3], $0x8, $0x38;
	[tilespmem:$0xA080] =	vst v63  }
0x15: {  	_ =	swait.ge [sflag:s17], $0x8  }
0x16: {  	[sflag:s17] =	ssyncset.done $0x0  }
0x17: {  	[sflag:s17] =	ssyncadd.s32 $0xFFFFFFF8  }
0x18: {  	v2 =	vld.msk [tilespmem:$0x0], $0xff;
	_ =	sdelay $0x4  }
0x19: {  	v3 =	vshll.u32 v2, $0x3  }
0x1a: {  	v2 =	vand.u32 $0x7, v2;
	v3 =	vand.u32 $0xFFFFFFC0, v3  }
0x1b: {  	v2 =	vor.u32 v2, v3  }
0x1c: {  	v2 =	vperm.xlane v2, v0;
	_ =	sdelay $0x1  }
0x1d: {  	v2 =	vadd.s32 v1, v2;
	_ =	sdelay $0x3  }
0x1e: {  	s2 =	simm.s32 $0x80;
	s4 =	rddreg [dreg:$0x2]  }
0x1f: {  	[tilespmem:s2], [sflag:$0x1] =	stream.indirect_vreg.gather [hbm4b:s4+s3], $0x80, v2, vm0, $0xb8;
	[tilespmem:$0xA080] =	vst v63  }
0x20: {  	s18 =	simm.s32 $0x880;
	s5 =	rddreg [dreg:$0x6]  }
0x21: {  	[tilespmem:s18], [sflag:$0x1] =	stream.indirect_vreg.gather [hbm4b:s5+s3], $0x80, v2, vm0, $0xb8;
	[tilespmem:$0xA080] =	vst v63  }
0x22: {  	s19 =	simm.s32 $0x1080  }
0x23: {  	[tilespmem:s19], [sflag:$0x1] =	stream.indirect_vreg.gather [hbm4b:s6+s3], $0x80, v2, vm0, $0xb8;
	[tilespmem:$0xA080] =	vst v63  }
0x24: {  	s20 =	simm.s32 $0x1880  }
0x25: {  	[tilespmem:s20], [sflag:$0x1] =	stream.indirect_vreg.gather [hbm4b:s7+s3], $0x80, v2, vm0, $0xb8;
	[tilespmem:$0xA080] =	vst v63  }
0x26: {  	_ = 	snop  }
0x27: {  	[tilespmem:s22], [sflag:$0x2] =	stream.linear.gather [hbm4b:s8+s3], $0x2000, $0x38;
	[tilespmem:$0xA080] =	vst v63  }
0x28: {  	_ = 	snop  }
0x29: {  	[tilespmem:s23], [sflag:$0x3] =	stream.linear.gather [hbm4b:s9+s3], $0x2000, $0x38;
	[tilespmem:$0xA080] =	vst v63  }
0x2a: {  	_ =	swait.ge [sflag:s24], $0x2000  }
0x2b: {  	[sflag:s24] =	ssyncset.done $0x0  }
0x2c: {  	[sflag:s24] =	ssyncadd.s32 $0xFFFFE000  }
0x2d: {  	_ =	swait.ge [sflag:s25], $0x2000  }
0x2e: {  	s21 =	sand.u32 $0x380, s3;
	s18 =	sand.u32 $0x1C00, s3;
	[sflag:s25] =	ssyncset.done $0x0  }
0x2f: {  	s2 =	sor.u32 s21, s18;
	[sflag:s25] =	ssyncadd.s32 $0xFFFFE000  }
0x30: {  	v4 =	vld [tilespmem:s2+$0xE0]  }
0x31: {  	v2 =	vld [tilespmem:s2+$0xC0]  }
0x32: {  	v3 =	vld [tilespmem:s2+$0x20B0]  }
0x33: {  	v5 =	vld [tilespmem:s2+$0x20A0]  }
0x34: {  	v6 =	vld [tilespmem:s2+$0xA0]  }
0x35: {  	s18 =	sor.u32 s18, s3;
	v8 =	vld [tilespmem:s2+$0x90]  }
0x36: {  	s21 =	simm.s32 $0x0;
	s19 =	simm.s32 $0x0;
	s20 =	simm.s32 $0x0;
	v7 =	vld [tilespmem:s2+$0x80]  }
.LBB2_2:
0x37: {  	s19 =	sadd.s32 $0x8, s19;
	v9 =	vld [tilespmem:s2+$0x2090];
	s20 =	sadd.s32 $0x400, s20;
	s21 =	sadd.s32 $0x10, s21  }
0x38: {  	p0 =	slt.u32 s19, $0x1F8;
	v10 =	vld [tilespmem:s2+$0x2080]  }
0x39: {  	v11 =	vld [tilespmem:s2+$0x20E0]  }
0x3a: {  	v12 =	vld [tilespmem:s2+$0x20C0]  }
0x3b: {  	v13 =	vld [tilespmem:s2+$0xB0]  }
0x3c: {  	v8 =	vadd.f32 v8, v9;
	v9 =	vld [tilespmem:s2+$0xD0]  }
0x3d: {  	v5 =	vadd.f32 v6, v5;
	v7 =	vadd.f32 v7, v10;
	v6 =	vld [tilespmem:s2+$0x20D0]  }
0x3e: {  	[tilespmem:s2+$0x6090] =	vst v8;
	v4 =	vadd.f32 v4, v11  }
0x3f: {  	[tilespmem:s2+$0x60A0] =	vst v5;
	v2 =	vadd.f32 v2, v12  }
0x40: {  	[tilespmem:s2+$0x6080] =	vst v7;
	v3 =	vadd.f32 v13, v3  }
0x41: {  	[tilespmem:s2+$0x60E0] =	vst v4  }
0x42: {  	[tilespmem:s2+$0x60B0] =	vst v3;
	v3 =	vadd.f32 v9, v6  }
0x43: {  	[tilespmem:s2+$0x60C0] =	vst v2  }
0x44: {  	s5 =	sor.u32 $0x70, s18;
	s1 =	sand.u32 $0x1C00, s20;
	s4 =	sand.u32 $0x380, s21;
	[tilespmem:s2+$0x60D0] =	vst v3  }
0x45: {  	s18 =	sor.u32 s1, s21;
	s2 =	sor.u32 s4, s1;
	v2 =	vld [tilespmem:s5+$0x2080]  }
0x46: {  	v3 =	vld [tilespmem:s5+$0x80];
	_ =	sdelay $0x4  }
0x47: {  	v2 =	vadd.f32 v3, v2;
	_ =	sdelay $0x1  }
0x48: {  	[tilespmem:s5+$0x6080] =	vst v2  }
0x49: {  	v4 =	vld [tilespmem:s2+$0xE0]  }
0x4a: {  	v2 =	vld [tilespmem:s2+$0xC0]  }
.Ltmp0:
0x4b: {  	v3 =	vld [tilespmem:s2+$0x20B0];
	(pc) =	sbr.rel @p0 .LBB2_2-.Ltmp0, $4  }
0x4c: {  	v5 =	vld [tilespmem:s2+$0x20A0]  }
0x4d: {  	v6 =	vld [tilespmem:s2+$0xA0]  }
0x4e: {  	v8 =	vld [tilespmem:s2+$0x90]  }
0x4f: {  	v7 =	vld [tilespmem:s2+$0x80]  }
0x50: {  	v9 =	vld [tilespmem:s2+$0x2090]  }
0x51: {  	v10 =	vld [tilespmem:s2+$0x2080]  }
0x52: {  	v11 =	vld [tilespmem:s2+$0x20E0]  }
0x53: {  	v12 =	vld [tilespmem:s2+$0x20C0]  }
0x54: {  	v13 =	vld [tilespmem:s2+$0xB0]  }
0x55: {  	v5 =	vadd.f32 v6, v5;
	v6 =	vld [tilespmem:s2+$0x20D0]  }
0x56: {  	v8 =	vadd.f32 v8, v9;
	v9 =	vld [tilespmem:s2+$0xD0]  }
0x57: {  	[tilespmem:s2+$0x60A0] =	vst v5;
	v7 =	vadd.f32 v7, v10  }
0x58: {  	v4 =	vadd.f32 v4, v11;
	[tilespmem:s2+$0x6090] =	vst v8  }
0x59: {  	v3 =	vadd.f32 v13, v3;
	[tilespmem:s2+$0x6080] =	vst v7  }
0x5a: {  	v2 =	vadd.f32 v2, v12;
	[tilespmem:s2+$0x60E0] =	vst v4  }
0x5b: {  	[tilespmem:s2+$0x60B0] =	vst v3;
	v3 =	vadd.f32 v9, v6  }
0x5c: {  	[tilespmem:s2+$0x60C0] =	vst v2  }
0x5d: {  	s1 =	sor.u32 $0x70, s18;
	[tilespmem:s2+$0x60D0] =	vst v3  }
0x5e: {  	v2 =	vld [tilespmem:s1+$0x2080]  }
0x5f: {  	v3 =	vld [tilespmem:s1+$0x80];
	_ =	sdelay $0x4  }
0x60: {  	v2 =	vadd.f32 v3, v2;
	_ =	sdelay $0x1  }
0x61: {  	s19 =	simm.s32 $0x0;
	[tilespmem:s1+$0x6080] =	vst v2  }
0x62: {  	[tilespmem:s22], [sflag:$0x2] =	stream.linear.gather [hbm4b:s10+s19], $0x2000, $0x38;
	[tilespmem:$0xA080] =	vst v63  }
0x63: {  	_ = 	snop  }
0x64: {  	[hbm4b:s11+s19] =	stream.linear.scatter [tilespmem:s26], [sflag:$0x4], $0x2000, $0x38;
	[tilespmem:$0xA080] =	vst v63  }
0x65: {  	_ =	swait.ge [sflag:s28], $0x2000  }
0x66: {  	s18 =	sand.u32 $0x1C00, s19;
	s21 =	sand.u32 $0x380, s19;
	[sflag:s28] =	ssyncset.done $0x0  }
0x67: {  	s2 =	sor.u32 s21, s18;
	[sflag:s28] =	ssyncadd.s32 $0xFFFFE000  }
0x68: {  	v4 =	vld [tilespmem:s2+$0xE0]  }
0x69: {  	v2 =	vld [tilespmem:s2+$0xC0]  }
0x6a: {  	v3 =	vld [tilespmem:s2+$0x40B0]  }
0x6b: {  	v5 =	vld [tilespmem:s2+$0x40A0]  }
0x6c: {  	v6 =	vld [tilespmem:s2+$0xA0]  }
0x6d: {  	v8 =	vld [tilespmem:s2+$0x90]  }
0x6e: {  	s20 =	simm.s32 $0x0;
	s18 =	sor.u32 s18, s19;
	s21 =	simm.s32 $0x0;
	v7 =	vld [tilespmem:s2+$0x80]  }
.LBB2_4:
0x6f: {  	s20 =	sadd.s32 $0x8, s20;
	v9 =	vld [tilespmem:s2+$0x4090];
	s19 =	sadd.s32 $0x400, s19;
	s21 =	sadd.s32 $0x10, s21  }
0x70: {  	p0 =	slt.u32 s20, $0x1F8;
	v10 =	vld [tilespmem:s2+$0x4080]  }
0x71: {  	v11 =	vld [tilespmem:s2+$0x40E0]  }
0x72: {  	v12 =	vld [tilespmem:s2+$0x40C0]  }
0x73: {  	v13 =	vld [tilespmem:s2+$0xB0]  }
0x74: {  	v8 =	vadd.f32 v8, v9;
	v9 =	vld [tilespmem:s2+$0xD0]  }
0x75: {  	v5 =	vadd.f32 v6, v5;
	v7 =	vadd.f32 v7, v10;
	v6 =	vld [tilespmem:s2+$0x40D0]  }
0x76: {  	[tilespmem:s2+$0x8090] =	vst v8;
	v4 =	vadd.f32 v4, v11  }
0x77: {  	[tilespmem:s2+$0x80A0] =	vst v5;
	v2 =	vadd.f32 v2, v12  }
0x78: {  	[tilespmem:s2+$0x8080] =	vst v7;
	v3 =	vadd.f32 v13, v3  }
0x79: {  	[tilespmem:s2+$0x80E0] =	vst v4  }
0x7a: {  	[tilespmem:s2+$0x80B0] =	vst v3;
	v3 =	vadd.f32 v9, v6  }
0x7b: {  	[tilespmem:s2+$0x80C0] =	vst v2  }
0x7c: {  	s5 =	sor.u32 $0x70, s18;
	s1 =	sand.u32 $0x1C00, s19;
	s4 =	sand.u32 $0x380, s21;
	[tilespmem:s2+$0x80D0] =	vst v3  }
0x7d: {  	s18 =	sor.u32 s1, s21;
	s2 =	sor.u32 s4, s1;
	v2 =	vld [tilespmem:s5+$0x4080]  }
0x7e: {  	v3 =	vld [tilespmem:s5+$0x80];
	_ =	sdelay $0x4  }
0x7f: {  	v2 =	vadd.f32 v3, v2;
	_ =	sdelay $0x1  }
0x80: {  	[tilespmem:s5+$0x8080] =	vst v2  }
0x81: {  	v4 =	vld [tilespmem:s2+$0xE0]  }
0x82: {  	v2 =	vld [tilespmem:s2+$0xC0]  }
.Ltmp1:
0x83: {  	v3 =	vld [tilespmem:s2+$0x40B0];
	(pc) =	sbr.rel @p0 .LBB2_4-.Ltmp1, $4  }
0x84: {  	v5 =	vld [tilespmem:s2+$0x40A0]  }
0x85: {  	v6 =	vld [tilespmem:s2+$0xA0]  }
0x86: {  	v8 =	vld [tilespmem:s2+$0x90]  }
0x87: {  	v7 =	vld [tilespmem:s2+$0x80]  }
0x88: {  	v9 =	vld [tilespmem:s2+$0x4090]  }
0x89: {  	v10 =	vld [tilespmem:s2+$0x4080]  }
0x8a: {  	v11 =	vld [tilespmem:s2+$0x40E0]  }
0x8b: {  	v12 =	vld [tilespmem:s2+$0x40C0]  }
0x8c: {  	v13 =	vld [tilespmem:s2+$0xB0]  }
0x8d: {  	v5 =	vadd.f32 v6, v5;
	v6 =	vld [tilespmem:s2+$0x40D0]  }
0x8e: {  	v8 =	vadd.f32 v8, v9;
	v9 =	vld [tilespmem:s2+$0xD0]  }
0x8f: {  	[tilespmem:s2+$0x80A0] =	vst v5;
	v7 =	vadd.f32 v7, v10  }
0x90: {  	v4 =	vadd.f32 v4, v11;
	[tilespmem:s2+$0x8090] =	vst v8  }
0x91: {  	v3 =	vadd.f32 v13, v3;
	[tilespmem:s2+$0x8080] =	vst v7  }
0x92: {  	v2 =	vadd.f32 v2, v12;
	[tilespmem:s2+$0x80E0] =	vst v4  }
0x93: {  	[tilespmem:s2+$0x80B0] =	vst v3;
	v3 =	vadd.f32 v9, v6  }
0x94: {  	[tilespmem:s2+$0x80C0] =	vst v2  }
0x95: {  	s1 =	sor.u32 $0x70, s18;
	[tilespmem:s2+$0x80D0] =	vst v3  }
0x96: {  	v2 =	vld [tilespmem:s1+$0x4080]  }
0x97: {  	v3 =	vld [tilespmem:s1+$0x80];
	_ =	sdelay $0x4  }
0x98: {  	v2 =	vadd.f32 v3, v2;
	_ =	sdelay $0x1  }
0x99: {  	s19 =	simm.s32 $0x0;
	[tilespmem:s1+$0x8080] =	vst v2  }
0x9a: {  	[tilespmem:s23], [sflag:$0x3] =	stream.linear.gather [hbm4b:s12+s19], $0x2000, $0x38;
	[tilespmem:$0xA080] =	vst v63  }
0x9b: {  	_ = 	snop  }
0x9c: {  	[hbm4b:s13+s19] =	stream.linear.scatter [tilespmem:s29], [sflag:$0x5], $0x2000, $0x38;
	[tilespmem:$0xA080] =	vst v63  }
0x9d: {  	_ =	swait.ge [sflag:s25], $0x2000  }
0x9e: {  	[sflag:s25] =	ssyncset.done $0x0  }
0x9f: {  	[sflag:s25] =	ssyncadd.s32 $0xFFFFE000  }
0xa0: {  	_ =	swait.ge [sflag:s30], $0x2000  }
0xa1: {  	s18 =	sand.u32 $0x1C00, s19;
	s21 =	sand.u32 $0x380, s19;
	[sflag:s30] =	ssyncset.done $0x0  }
0xa2: {  	s2 =	sor.u32 s21, s18;
	[sflag:s30] =	ssyncadd.s32 $0xFFFFE000  }
0xa3: {  	v4 =	vld [tilespmem:s2+$0xE0]  }
0xa4: {  	v2 =	vld [tilespmem:s2+$0xC0]  }
0xa5: {  	v3 =	vld [tilespmem:s2+$0x20B0]  }
0xa6: {  	v5 =	vld [tilespmem:s2+$0x20A0]  }
0xa7: {  	v6 =	vld [tilespmem:s2+$0xA0]  }
0xa8: {  	v8 =	vld [tilespmem:s2+$0x90]  }
0xa9: {  	s20 =	simm.s32 $0x0;
	s18 =	sor.u32 s18, s19;
	s21 =	simm.s32 $0x0;
	v7 =	vld [tilespmem:s2+$0x80]  }
.LBB2_6:
0xaa: {  	s20 =	sadd.s32 $0x8, s20;
	v9 =	vld [tilespmem:s2+$0x2090];
	s19 =	sadd.s32 $0x400, s19;
	s21 =	sadd.s32 $0x10, s21  }
0xab: {  	p0 =	slt.u32 s20, $0x1F8;
	v10 =	vld [tilespmem:s2+$0x2080]  }
0xac: {  	v11 =	vld [tilespmem:s2+$0x20E0]  }
0xad: {  	v12 =	vld [tilespmem:s2+$0x20C0]  }
0xae: {  	v13 =	vld [tilespmem:s2+$0xB0]  }
0xaf: {  	v8 =	vadd.f32 v8, v9;
	v9 =	vld [tilespmem:s2+$0xD0]  }
0xb0: {  	v5 =	vadd.f32 v6, v5;
	v7 =	vadd.f32 v7, v10;
	v6 =	vld [tilespmem:s2+$0x20D0]  }
0xb1: {  	[tilespmem:s2+$0x6090] =	vst v8;
	v4 =	vadd.f32 v4, v11  }
0xb2: {  	[tilespmem:s2+$0x60A0] =	vst v5;
	v2 =	vadd.f32 v2, v12  }
0xb3: {  	[tilespmem:s2+$0x6080] =	vst v7;
	v3 =	vadd.f32 v13, v3  }
0xb4: {  	[tilespmem:s2+$0x60E0] =	vst v4  }
0xb5: {  	[tilespmem:s2+$0x60B0] =	vst v3;
	v3 =	vadd.f32 v9, v6  }
0xb6: {  	[tilespmem:s2+$0x60C0] =	vst v2  }
0xb7: {  	s5 =	sor.u32 $0x70, s18;
	s1 =	sand.u32 $0x1C00, s19;
	s4 =	sand.u32 $0x380, s21;
	[tilespmem:s2+$0x60D0] =	vst v3  }
0xb8: {  	s18 =	sor.u32 s1, s21;
	s2 =	sor.u32 s4, s1;
	v2 =	vld [tilespmem:s5+$0x2080]  }
0xb9: {  	v3 =	vld [tilespmem:s5+$0x80];
	_ =	sdelay $0x4  }
0xba: {  	v2 =	vadd.f32 v3, v2;
	_ =	sdelay $0x1  }
0xbb: {  	[tilespmem:s5+$0x6080] =	vst v2  }
0xbc: {  	v4 =	vld [tilespmem:s2+$0xE0]  }
0xbd: {  	v2 =	vld [tilespmem:s2+$0xC0]  }
.Ltmp2:
0xbe: {  	v3 =	vld [tilespmem:s2+$0x20B0];
	(pc) =	sbr.rel @p0 .LBB2_6-.Ltmp2, $4  }
0xbf: {  	v5 =	vld [tilespmem:s2+$0x20A0]  }
0xc0: {  	v6 =	vld [tilespmem:s2+$0xA0]  }
0xc1: {  	v8 =	vld [tilespmem:s2+$0x90]  }
0xc2: {  	v7 =	vld [tilespmem:s2+$0x80]  }
0xc3: {  	v9 =	vld [tilespmem:s2+$0x2090]  }
0xc4: {  	v10 =	vld [tilespmem:s2+$0x2080]  }
0xc5: {  	v11 =	vld [tilespmem:s2+$0x20E0]  }
0xc6: {  	v12 =	vld [tilespmem:s2+$0x20C0]  }
0xc7: {  	v13 =	vld [tilespmem:s2+$0xB0]  }
0xc8: {  	v5 =	vadd.f32 v6, v5;
	v6 =	vld [tilespmem:s2+$0x20D0]  }
0xc9: {  	v8 =	vadd.f32 v8, v9;
	v9 =	vld [tilespmem:s2+$0xD0]  }
0xca: {  	[tilespmem:s2+$0x60A0] =	vst v5;
	v7 =	vadd.f32 v7, v10  }
0xcb: {  	v4 =	vadd.f32 v4, v11;
	[tilespmem:s2+$0x6090] =	vst v8  }
0xcc: {  	v3 =	vadd.f32 v13, v3;
	[tilespmem:s2+$0x6080] =	vst v7  }
0xcd: {  	v2 =	vadd.f32 v2, v12;
	[tilespmem:s2+$0x60E0] =	vst v4  }
0xce: {  	[tilespmem:s2+$0x60B0] =	vst v3;
	v3 =	vadd.f32 v9, v6  }
0xcf: {  	[tilespmem:s2+$0x60C0] =	vst v2  }
0xd0: {  	s1 =	sor.u32 $0x70, s18;
	[tilespmem:s2+$0x60D0] =	vst v3  }
0xd1: {  	v2 =	vld [tilespmem:s1+$0x2080]  }
0xd2: {  	v3 =	vld [tilespmem:s1+$0x80];
	_ =	sdelay $0x4  }
0xd3: {  	v2 =	vadd.f32 v3, v2;
	_ =	sdelay $0x1  }
0xd4: {  	s19 =	simm.s32 $0x0;
	[tilespmem:s1+$0x6080] =	vst v2  }
0xd5: {  	[hbm4b:s14+s19] =	stream.linear.scatter [tilespmem:s26], [sflag:$0x4], $0x2000, $0x38;
	[tilespmem:$0xA080] =	vst v63  }
0xd6: {  	_ =	swait.ge [sflag:s28], $0x2000  }
0xd7: {  	[sflag:s28] =	ssyncset.done $0x0  }
0xd8: {  	[sflag:s28] =	ssyncadd.s32 $0xFFFFE000  }
0xd9: {  	_ =	swait.ge [sflag:s31], $0x2000  }
0xda: {  	s18 =	sand.u32 $0x1C00, s19;
	s21 =	sand.u32 $0x380, s19;
	[sflag:s31] =	ssyncset.done $0x0  }
0xdb: {  	s2 =	sor.u32 s21, s18;
	[sflag:s31] =	ssyncadd.s32 $0xFFFFE000  }
0xdc: {  	v4 =	vld [tilespmem:s2+$0xE0]  }
0xdd: {  	v2 =	vld [tilespmem:s2+$0xC0]  }
0xde: {  	v3 =	vld [tilespmem:s2+$0x40B0]  }
0xdf: {  	v5 =	vld [tilespmem:s2+$0x40A0]  }
0xe0: {  	v6 =	vld [tilespmem:s2+$0xA0]  }
0xe1: {  	v8 =	vld [tilespmem:s2+$0x90]  }
0xe2: {  	s20 =	simm.s32 $0x0;
	s18 =	sor.u32 s18, s19;
	s21 =	simm.s32 $0x0;
	v7 =	vld [tilespmem:s2+$0x80]  }
.LBB2_8:
0xe3: {  	s20 =	sadd.s32 $0x8, s20;
	v9 =	vld [tilespmem:s2+$0x4090];
	s19 =	sadd.s32 $0x400, s19;
	s21 =	sadd.s32 $0x10, s21  }
0xe4: {  	p0 =	slt.u32 s20, $0x1F8;
	v10 =	vld [tilespmem:s2+$0x4080]  }
0xe5: {  	v11 =	vld [tilespmem:s2+$0x40E0]  }
0xe6: {  	v12 =	vld [tilespmem:s2+$0x40C0]  }
0xe7: {  	v13 =	vld [tilespmem:s2+$0xB0]  }
0xe8: {  	v8 =	vadd.f32 v8, v9;
	v9 =	vld [tilespmem:s2+$0xD0]  }
0xe9: {  	v5 =	vadd.f32 v6, v5;
	v7 =	vadd.f32 v7, v10;
	v6 =	vld [tilespmem:s2+$0x40D0]  }
0xea: {  	[tilespmem:s2+$0x8090] =	vst v8;
	v4 =	vadd.f32 v4, v11  }
0xeb: {  	[tilespmem:s2+$0x80A0] =	vst v5;
	v2 =	vadd.f32 v2, v12  }
0xec: {  	[tilespmem:s2+$0x8080] =	vst v7;
	v3 =	vadd.f32 v13, v3  }
0xed: {  	[tilespmem:s2+$0x80E0] =	vst v4  }
0xee: {  	[tilespmem:s2+$0x80B0] =	vst v3;
	v3 =	vadd.f32 v9, v6  }
0xef: {  	[tilespmem:s2+$0x80C0] =	vst v2  }
0xf0: {  	s5 =	sor.u32 $0x70, s18;
	s1 =	sand.u32 $0x1C00, s19;
	s4 =	sand.u32 $0x380, s21;
	[tilespmem:s2+$0x80D0] =	vst v3  }
0xf1: {  	s18 =	sor.u32 s1, s21;
	s2 =	sor.u32 s4, s1;
	v2 =	vld [tilespmem:s5+$0x4080]  }
0xf2: {  	v3 =	vld [tilespmem:s5+$0x80];
	_ =	sdelay $0x4  }
0xf3: {  	v2 =	vadd.f32 v3, v2;
	_ =	sdelay $0x1  }
0xf4: {  	[tilespmem:s5+$0x8080] =	vst v2  }
0xf5: {  	v4 =	vld [tilespmem:s2+$0xE0]  }
0xf6: {  	v2 =	vld [tilespmem:s2+$0xC0]  }
.Ltmp3:
0xf7: {  	v3 =	vld [tilespmem:s2+$0x40B0];
	(pc) =	sbr.rel @p0 .LBB2_8-.Ltmp3, $4  }
0xf8: {  	v5 =	vld [tilespmem:s2+$0x40A0]  }
0xf9: {  	v6 =	vld [tilespmem:s2+$0xA0]  }
0xfa: {  	v8 =	vld [tilespmem:s2+$0x90]  }
0xfb: {  	v7 =	vld [tilespmem:s2+$0x80]  }
0xfc: {  	v9 =	vld [tilespmem:s2+$0x4090]  }
0xfd: {  	v10 =	vld [tilespmem:s2+$0x4080]  }
0xfe: {  	v11 =	vld [tilespmem:s2+$0x40E0]  }
0xff: {  	v12 =	vld [tilespmem:s2+$0x40C0]  }
0x100: {  	v13 =	vld [tilespmem:s2+$0xB0]  }
0x101: {  	v62 =	vld [tilespmem:s2+$0xD0];
	v5 =	vadd.f32 v6, v5  }
0x102: {  	v63 =	vld [tilespmem:s2+$0x40D0];
	v8 =	vadd.f32 v8, v9  }
0x103: {  	[tilespmem:s2+$0x80A0] =	vst v5;
	v7 =	vadd.f32 v7, v10  }
0x104: {  	v4 =	vadd.f32 v4, v11;
	[tilespmem:s2+$0x8090] =	vst v8  }
0x105: {  	v3 =	vadd.f32 v13, v3;
	[tilespmem:s2+$0x8080] =	vst v7  }
0x106: {  	v2 =	vadd.f32 v2, v12;
	[tilespmem:s2+$0x80E0] =	vst v4  }
0x107: {  	[tilespmem:s2+$0x80B0] =	vst v3;
	v3 =	vadd.f32 v62, v63  }
0x108: {  	[tilespmem:s2+$0x80C0] =	vst v2  }
0x109: {  	s1 =	sor.u32 $0x70, s18;
	[tilespmem:s2+$0x80D0] =	vst v3  }
0x10a: {  	v2 =	vld [tilespmem:s1+$0x4080]  }
0x10b: {  	v3 =	vld [tilespmem:s1+$0x80];
	_ =	sdelay $0x4  }
0x10c: {  	v2 =	vadd.f32 v3, v2;
	_ =	sdelay $0x1  }
0x10d: {  	s0 =	sadd.s32 $0x1, s0;
	[tilespmem:s1+$0x8080] =	vst v2  }
0x10e: {  	[hbm4b:s15+s3] =	stream.linear.scatter [tilespmem:s29], [sflag:$0x5], $0x2000, $0x38;
	[tilespmem:$0xA080] =	vst v63  }
0x10f: {  	p0 =	sne.s32 s0, s16;
	_ =	swait.ge [sflag:s30], $0x2000  }
.Ltmp4:
0x110: {  	[sflag:s30] =	ssyncset.done $0x0;
	(pc) =	sbr.rel @p0 .LBB2_1-.Ltmp4, $4  }
0x111: {  	[sflag:s30] =	ssyncadd.s32 $0xFFFFE000  }
0x112: {  	_ =	swait.ge [sflag:s31], $0x2000  }
0x113: {  	[sflag:s31] =	ssyncset.done $0x0  }
0x114: {  	[sflag:s31] =	ssyncadd.s32 $0xFFFFE000  }
0x115: {  	_ =	sfence.sel $0x180000  }
0x116: {  	[bflag:$0x0] =	sbarrier.arrive $0xFFFF  }
0x117: {  	_ =	strace $0x90000047  }
0x118: {  	s0 =	stileid.u32;
	[bflag:$0x2] =	sbarrier.arrive $0xFFFF  }
0x119: {  	p0 =	sne.s32 s0, $0x0;
	s0 =	rddreg [dreg:$0x4]  }
0x11a: {  	s0 =	sadd.s32 @!p0 $0x100000, s0  }
0x11b: {  	[sflag:s0] =	ssyncadd.tile.s32 @!p0 $0x1;
	_ =	shalt  }
.Lfunc_end2:
_tile_overlayer_lowered:
.L_overlay_start_2:
0x11c: {  	(tag) =	ssettag $0x2  }
0x11d: {  	s0 =	rddreg [dreg:$0x0];
	s2 =	stileid.u32  }
0x11e: {  	s1 =	rddreg [dreg:$0x1];
	p0 =	sne.s32 s2, $0x0  }
0x11f: {  	s3 =	rddreg [dreg:$0x2];
	[bflag:$0x3] =	sbarrier.arrive $0xFFFF;
	s2 =	simm.s32 @!p0 $0x1C06  }
0x120: {  	[timem:s3], [sflag:s2] =	dma.local @!p0 [hbm:s0], s1  }
0x121: {  	s0 =	simm.s32 @!p0 $0x6  }
0x122: {  	_ =	swait.ge @!p0 [sflag:s0], s1  }
0x123: {  	s1 =	ssub.s32 @!p0 $0x0, s1;
	[sflag:s0] =	ssyncset.done @!p0 $0x0  }
0x124: {  	[sflag:s0] =	ssyncadd.s32 @!p0 s1  }
0x125: {  	[bflag:$0x3] =	sbarrier.arrive $0xFFFF  }
0x126: {  	_ =	shalt  }

</sc_bundles>
